<compile_context>
chip_gen: v7x
topology: tpu7x:2x2x1
jax: 0.10.2.dev20260603
libtpu: 0.0.44.dev20260713+nightly
codegen_flags: <defaults>
</compile_context>

<pallas_src>
import functools

import jax
import jax.numpy as jnp
from jax import lax
from jax.experimental import pallas as pl
from jax.experimental.pallas import tpu as pltpu
from jax.experimental.pallas import tpu_sc as plsc

N = 10000
E = 320000
D = 128
H = 128
NUM_LEVELS = 3
NUM_PROC = 9

NC = 2
NS = 16
NW = NC * NS
CH = 128
CPW = 80
EPAD = NW * CPW * CH
NP = 10240
ROWS_PER_TILE = NP // NS


def _sc_body(x_hbm, src_hbm, dst_hbm, out_hbm,
             sidx0, sidx1, didx0, didx1, rows0, rows1, aggr_sh,
             semr0, semr1, semd0, semd1, sems0, sems1, semsc0, semsc1):
    c = lax.axis_index("c")
    s = lax.axis_index("s")
    wid = s * NC + c

    def zrow(r, carry):
        for cc in range(D // 16):
            rows0[r, pl.ds(cc * 16, 16)] = jnp.zeros((16,), jnp.float32)
        return carry

    lax.fori_loop(0, CH, zrow, 0)
    for t in range(ROWS_PER_TILE // CH):
        pltpu.sync_copy(
            rows0, aggr_sh.at[pl.ds(s * ROWS_PER_TILE + t * CH, CH)])
    plsc.subcore_barrier()

    ebase = wid * CPW * CH
    rows = (rows0, rows1)
    sidx = (sidx0, sidx1)
    didx = (didx0, didx1)
    semr = (semr0, semr1)
    semd = (semd0, semd1)
    sems = (sems0, sems1)
    semsc = (semsc0, semsc1)

    pltpu.async_copy(src_hbm.at[pl.ds(ebase, CH)], sidx0, sems0)
    pltpu.async_copy(src_hbm.at[pl.ds(ebase + CH, CH)], sidx1, sems1)
    pltpu.async_copy(dst_hbm.at[pl.ds(ebase, CH)], didx0, semd0)
    pltpu.make_async_copy(src_hbm.at[pl.ds(ebase, CH)], sidx0, sems0).wait()
    pltpu.async_copy(x_hbm.at[sidx0], rows0, semr0)

    def step(i, carry):
        for b in range(2):
            kk = 2 * i + b
            nb = b ^ 1

            @pl.when(kk + 1 < CPW)
            def _():
                pltpu.make_async_copy(
                    src_hbm.at[pl.ds(ebase + (kk + 1) * CH, CH)],
                    sidx[nb], sems[nb]).wait()

                @pl.when(kk >= 1)
                def _():
                    pltpu.make_async_copy(rows[nb], aggr_sh.at[didx[nb]],
                                          semsc[nb]).wait()
                pltpu.async_copy(
                    dst_hbm.at[pl.ds(ebase + (kk + 1) * CH, CH)],
                    didx[nb], semd[nb])
                pltpu.async_copy(x_hbm.at[sidx[nb]], rows[nb], semr[nb])

            pltpu.make_async_copy(dst_hbm.at[pl.ds(ebase + kk * CH, CH)],
                                  didx[b], semd[b]).wait()
            pltpu.make_async_copy(x_hbm.at[sidx[b]], rows[b], semr[b]).wait()
            pltpu.async_copy(rows[b], aggr_sh.at[didx[b]], semsc[b], add=True)

            @pl.when(kk + 2 < CPW)
            def _():
                pltpu.async_copy(src_hbm.at[pl.ds(ebase + (kk + 2) * CH, CH)],
                                 sidx[b], sems[b])
        return carry

    lax.fori_loop(0, CPW // 2, step, 0)

    pltpu.make_async_copy(rows[0], aggr_sh.at[didx[0]], semsc[0]).wait()
    pltpu.make_async_copy(rows[1], aggr_sh.at[didx[1]], semsc[1]).wait()

    plsc.subcore_barrier()
    pltpu.sync_copy(aggr_sh.at[pl.ds(s * ROWS_PER_TILE, ROWS_PER_TILE)],
                    out_hbm.at[c, pl.ds(s * ROWS_PER_TILE, ROWS_PER_TILE)])


@functools.cache
def _sc_segment_sum():
    return pl.kernel(
        _sc_body,
        out_type=jax.ShapeDtypeStruct((NC, NP, D), jnp.float32),
        mesh=plsc.VectorSubcoreMesh(core_axis_name="c", subcore_axis_name="s",
                                    num_cores=NC, num_subcores=NS),
        scratch_types=[
            pltpu.VMEM((CH,), jnp.int32),
            pltpu.VMEM((CH,), jnp.int32),
            pltpu.VMEM((CH,), jnp.int32),
            pltpu.VMEM((CH,), jnp.int32),
            pltpu.VMEM((CH, D), jnp.float32),
            pltpu.VMEM((CH, D), jnp.float32),
            pltpu.VMEM_SHARED((NP, D), jnp.float32),
            pltpu.SemaphoreType.DMA,
            pltpu.SemaphoreType.DMA,
            pltpu.SemaphoreType.DMA,
            pltpu.SemaphoreType.DMA,
            pltpu.SemaphoreType.DMA,
            pltpu.SemaphoreType.DMA,
            pltpu.SemaphoreType.DMA,
            pltpu.SemaphoreType.DMA,
        ],
    )


ROW_BLK = 2000


def _tc_body(x_ref, parts_ref, w_ref, b_ref, s_ref, *out_refs):
    xa = jnp.concatenate([x_ref[...], parts_ref[0] + parts_ref[1]], axis=1)
    for level in range(NUM_LEVELS):
        xc = (jnp.dot(xa, w_ref[level], preferred_element_type=jnp.float32)
              + b_ref[level][None, :])
        big = jnp.dot(xc, s_ref[level], preferred_element_type=jnp.float32)
        for j in range(3):
            out_refs[level * 3 + j][...] = big[:, j * H:(j + 1) * H]


def _tc_dense(x, parts, Wstack, b, Sstack):
    grid = (N // ROW_BLK,)
    full = lambda shape: pl.BlockSpec(shape, lambda i: (0,) * len(shape))
    return pl.pallas_call(
        _tc_body,
        grid=grid,
        in_specs=[
            pl.BlockSpec((ROW_BLK, D), lambda i: (i, 0)),
            pl.BlockSpec((NC, ROW_BLK, D), lambda i: (0, i, 0)),
            full((NUM_LEVELS, 2 * D, H)),
            full((NUM_LEVELS, H)),
            full((NUM_LEVELS, H, 3 * H)),
        ],
        out_specs=tuple(pl.BlockSpec((ROW_BLK, H), lambda i: (i, 0))
                        for _ in range(NUM_PROC)),
        out_shape=tuple(jax.ShapeDtypeStruct((N, H), jnp.float32)
                        for _ in range(NUM_PROC)),
    )(x, parts, Wstack, b, Sstack)


def kernel(x, edge_index, Wroot, Wrel, b, S):
    pad = EPAD - E
    pad_ar = jnp.arange(pad, dtype=jnp.int32)
    src = jnp.concatenate([edge_index[0], pad_ar % N])
    dst = jnp.concatenate([edge_index[1], N + (pad_ar % (NP - N))])
    parts = _sc_segment_sum()(x, src, dst)
    Wstack = jnp.concatenate([Wroot, Wrel], axis=1)
    Sstack = jnp.transpose(S.reshape(NUM_LEVELS, 3, H, H),
                           (0, 2, 1, 3)).reshape(NUM_LEVELS, H, 3 * H)
    outs = _tc_dense(x, parts, Wstack, b, Sstack)
    return tuple(outs)

# --- scband reference (transcript-rebuilt; emitter-appended) ---
"""Pipeline reference for scband-value-chain-gnn-70360154243504 (READ-ONLY COPY).

The authoritative reference and input builder live on the scoring server;
editing this copy changes nothing except your own understanding.
"""

import jax, jax.numpy as jnp
import numpy as np

N = 10000
E = 320000
D = 128
H = 128
NUM_LEVELS = 3
NUM_PROC = 9


def setup_inputs(seed: int = 0) -> dict:
    key = jax.random.key(seed)
    ks = jax.random.split(key, 6)
    x = jax.random.normal(ks[0], (N, D), dtype=jnp.float32)
    edge_index = jax.random.randint(ks[1], (2, E), 0, N, dtype=jnp.int32)
    # Per-macro-level GraphConv weights (3 levels): root linear, relational linear, bias
    Wroot = jax.random.normal(ks[2], (NUM_LEVELS, D, H), dtype=jnp.float32) * 0.05
    Wrel = jax.random.normal(ks[3], (NUM_LEVELS, D, H), dtype=jnp.float32) * 0.05
    b = jax.random.normal(ks[4], (NUM_LEVELS, H), dtype=jnp.float32) * 0.05
    # Per-process selection matrices (9 processes P001..P009)
    S = jax.random.normal(ks[5], (NUM_PROC, H, H), dtype=jnp.float32) * 0.05
    return {"x": x, "edge_index": edge_index, "Wroot": Wroot, "Wrel": Wrel, "b": b, "S": S}


def reference(x, edge_index, Wroot, Wrel, b, S):
    # ValueChainGNN.forward: for each macro level (shared GraphConv), for each of its
    # 3 processes: x_conv = level_conv(x, edge_index); x_selected = x_conv @ S[process].
    # GraphConv (PyG semantics, sum aggregation):
    #   out = x @ W_root + (sum_{j in N(i)} x_j) @ W_rel + b
    src = edge_index[0]
    dst = edge_index[1]
    msgs = jnp.take(x, src, axis=0)                       # gather: [E, D]
    aggr = jax.ops.segment_sum(msgs, dst, num_segments=N)  # scatter-add: [N, D]
    outs = []
    for level in range(NUM_LEVELS):
        x_conv = x @ Wroot[level] + aggr @ Wrel[level] + b[level]
        for j in range(3):
            p = level * 3 + j
            outs.append(x_conv @ S[p])
    return tuple(outs)

if __name__ == "__main__":
    import jax
    _d = setup_inputs()
    print(jax.jit(kernel)(*tuple(_d.values())))

</pallas_src>

<mosaic_0001>
#map = affine_map<(d0, d1) -> (0, 0)>
#map1 = affine_map<(d0, d1) -> (0)>
#map2 = affine_map<(d0, d1) -> (0, 0, 0)>
module attributes {stable_mosaic.version = 14 : i64} {
  func.func @_sc_body(%arg0: i32, %arg1: i32, %arg2: memref<10000x128xf32, #tpu.memory_space<hbm>>, %arg3: memref<327680xi32, #tpu.memory_space<hbm>>, %arg4: memref<327680xi32, #tpu.memory_space<hbm>>, %arg5: memref<2x10240x128xf32, #tpu.memory_space<hbm>>, %arg6: memref<128xi32, #tpu.memory_space<vmem>>, %arg7: memref<128xi32, #tpu.memory_space<vmem>>, %arg8: memref<128xi32, #tpu.memory_space<vmem>>, %arg9: memref<128xi32, #tpu.memory_space<vmem>>, %arg10: memref<128x128xf32, #tpu.memory_space<vmem>>, %arg11: memref<128x128xf32, #tpu.memory_space<vmem>>, %arg12: memref<10240x128xf32, #tpu.memory_space<vmem_shared>>, %arg13: memref<!tpu.dma_semaphore, #tpu.memory_space<semaphore_mem>>, %arg14: memref<!tpu.dma_semaphore, #tpu.memory_space<semaphore_mem>>, %arg15: memref<!tpu.dma_semaphore, #tpu.memory_space<semaphore_mem>>, %arg16: memref<!tpu.dma_semaphore, #tpu.memory_space<semaphore_mem>>, %arg17: memref<!tpu.dma_semaphore, #tpu.memory_space<semaphore_mem>>, %arg18: memref<!tpu.dma_semaphore, #tpu.memory_space<semaphore_mem>>, %arg19: memref<!tpu.dma_semaphore, #tpu.memory_space<semaphore_mem>>, %arg20: memref<!tpu.dma_semaphore, #tpu.memory_space<semaphore_mem>>) attributes {dimension_semantics = [#tpu.dimension_semantics<core_parallel>, #tpu.dimension_semantics<subcore_parallel>], iteration_bounds = array<i64: 2, 16>, scalar_prefetch = 0 : i64, scratch_operands = 15 : i64, tpu.core_type = #tpu.core_type<sc_vector_subcore>, window_params = [{transform_indices = #map}, {transform_indices = #map1}, {transform_indices = #map1}, {transform_indices = #map2}]} {
    %mul3A = arith.constant 2 : i32
    %mul3A_0 = arith.muli %arg1, %mul3A : i32
    %add3A = arith.addi %mul3A_0, %arg0 : i32
    %scan3A = arith.constant 0 : i32
    %scan3A_1 = arith.constant 0 : i32
    %scan3A_2 = arith.constant 128 : i32
    %scan3A_3 = arith.addi %scan3A_1, %scan3A_2 : i32
    %scan3A_4 = arith.constant 1 : i32
    scf.for %scan3A_58 = %scan3A_1 to %scan3A_3 step %scan3A_4  : i32 {
      %broadcast_in_dim3A = arith.constant 0.000000e+00 : f32
      %broadcast_in_dim3A_59 = vector.broadcast %broadcast_in_dim3A : f32 to vector<16xf32>
      %swap3A = arith.index_cast %scan3A_58 : i32 to index
      %swap3A_60 = arith.constant 0 : index
      %swap3A_61 = tpu.vector_load %arg10[%swap3A, %swap3A_60] {strides = array<i32>} : memref<128x128xf32, #tpu.memory_space<vmem>>, vector<1x16xf32>,
      %swap3A_62 = vector.shape_cast %swap3A_61 : vector<1x16xf32> to vector<16xf32>
      %swap3A_63 = vector.shape_cast %broadcast_in_dim3A_59 : vector<16xf32> to vector<1x16xf32>
      tpu.vector_store %arg10[%swap3A, %swap3A_60], %swap3A_63 {strides = array<i32>} : memref<128x128xf32, #tpu.memory_space<vmem>>, vector<1x16xf32>,
      %broadcast_in_dim3A_64 = arith.constant 0.000000e+00 : f32
      %broadcast_in_dim3A_65 = vector.broadcast %broadcast_in_dim3A_64 : f32 to vector<16xf32>
      %swap3A_66 = arith.index_cast %scan3A_58 : i32 to index
      %swap3A_67 = arith.constant 16 : index
      %swap3A_68 = tpu.vector_load %arg10[%swap3A_66, %swap3A_67] {strides = array<i32>} : memref<128x128xf32, #tpu.memory_space<vmem>>, vector<1x16xf32>,
      %swap3A_69 = vector.shape_cast %swap3A_68 : vector<1x16xf32> to vector<16xf32>
      %swap3A_70 = vector.shape_cast %broadcast_in_dim3A_65 : vector<16xf32> to vector<1x16xf32>
      tpu.vector_store %arg10[%swap3A_66, %swap3A_67], %swap3A_70 {strides = array<i32>} : memref<128x128xf32, #tpu.memory_space<vmem>>, vector<1x16xf32>,
      %broadcast_in_dim3A_71 = arith.constant 0.000000e+00 : f32
      %broadcast_in_dim3A_72 = vector.broadcast %broadcast_in_dim3A_71 : f32 to vector<16xf32>
      %swap3A_73 = arith.index_cast %scan3A_58 : i32 to index
      %swap3A_74 = arith.constant 32 : index
      %swap3A_75 = tpu.vector_load %arg10[%swap3A_73, %swap3A_74] {strides = array<i32>} : memref<128x128xf32, #tpu.memory_space<vmem>>, vector<1x16xf32>,
      %swap3A_76 = vector.shape_cast %swap3A_75 : vector<1x16xf32> to vector<16xf32>
      %swap3A_77 = vector.shape_cast %broadcast_in_dim3A_72 : vector<16xf32> to vector<1x16xf32>
      tpu.vector_store %arg10[%swap3A_73, %swap3A_74], %swap3A_77 {strides = array<i32>} : memref<128x128xf32, #tpu.memory_space<vmem>>, vector<1x16xf32>,
      %broadcast_in_dim3A_78 = arith.constant 0.000000e+00 : f32
      %broadcast_in_dim3A_79 = vector.broadcast %broadcast_in_dim3A_78 : f32 to vector<16xf32>
      %swap3A_80 = arith.index_cast %scan3A_58 : i32 to index
      %swap3A_81 = arith.constant 48 : index
      %swap3A_82 = tpu.vector_load %arg10[%swap3A_80, %swap3A_81] {strides = array<i32>} : memref<128x128xf32, #tpu.memory_space<vmem>>, vector<1x16xf32>,
      %swap3A_83 = vector.shape_cast %swap3A_82 : vector<1x16xf32> to vector<16xf32>
      %swap3A_84 = vector.shape_cast %broadcast_in_dim3A_79 : vector<16xf32> to vector<1x16xf32>
      tpu.vector_store %arg10[%swap3A_80, %swap3A_81], %swap3A_84 {strides = array<i32>} : memref<128x128xf32, #tpu.memory_space<vmem>>, vector<1x16xf32>,
      %broadcast_in_dim3A_85 = arith.constant 0.000000e+00 : f32
      %broadcast_in_dim3A_86 = vector.broadcast %broadcast_in_dim3A_85 : f32 to vector<16xf32>
      %swap3A_87 = arith.index_cast %scan3A_58 : i32 to index
      %swap3A_88 = arith.constant 64 : index
      %swap3A_89 = tpu.vector_load %arg10[%swap3A_87, %swap3A_88] {strides = array<i32>} : memref<128x128xf32, #tpu.memory_space<vmem>>, vector<1x16xf32>,
      %swap3A_90 = vector.shape_cast %swap3A_89 : vector<1x16xf32> to vector<16xf32>
      %swap3A_91 = vector.shape_cast %broadcast_in_dim3A_86 : vector<16xf32> to vector<1x16xf32>
      tpu.vector_store %arg10[%swap3A_87, %swap3A_88], %swap3A_91 {strides = array<i32>} : memref<128x128xf32, #tpu.memory_space<vmem>>, vector<1x16xf32>,
      %broadcast_in_dim3A_92 = arith.constant 0.000000e+00 : f32
      %broadcast_in_dim3A_93 = vector.broadcast %broadcast_in_dim3A_92 : f32 to vector<16xf32>
      %swap3A_94 = arith.index_cast %scan3A_58 : i32 to index
      %swap3A_95 = arith.constant 80 : index
      %swap3A_96 = tpu.vector_load %arg10[%swap3A_94, %swap3A_95] {strides = array<i32>} : memref<128x128xf32, #tpu.memory_space<vmem>>, vector<1x16xf32>,
      %swap3A_97 = vector.shape_cast %swap3A_96 : vector<1x16xf32> to vector<16xf32>
      %swap3A_98 = vector.shape_cast %broadcast_in_dim3A_93 : vector<16xf32> to vector<1x16xf32>
      tpu.vector_store %arg10[%swap3A_94, %swap3A_95], %swap3A_98 {strides = array<i32>} : memref<128x128xf32, #tpu.memory_space<vmem>>, vector<1x16xf32>,
      %broadcast_in_dim3A_99 = arith.constant 0.000000e+00 : f32
      %broadcast_in_dim3A_100 = vector.broadcast %broadcast_in_dim3A_99 : f32 to vector<16xf32>
      %swap3A_101 = arith.index_cast %scan3A_58 : i32 to index
      %swap3A_102 = arith.constant 96 : index
      %swap3A_103 = tpu.vector_load %arg10[%swap3A_101, %swap3A_102] {strides = array<i32>} : memref<128x128xf32, #tpu.memory_space<vmem>>, vector<1x16xf32>,
      %swap3A_104 = vector.shape_cast %swap3A_103 : vector<1x16xf32> to vector<16xf32>
      %swap3A_105 = vector.shape_cast %broadcast_in_dim3A_100 : vector<16xf32> to vector<1x16xf32>
      tpu.vector_store %arg10[%swap3A_101, %swap3A_102], %swap3A_105 {strides = array<i32>} : memref<128x128xf32, #tpu.memory_space<vmem>>, vector<1x16xf32>,
      %broadcast_in_dim3A_106 = arith.constant 0.000000e+00 : f32
      %broadcast_in_dim3A_107 = vector.broadcast %broadcast_in_dim3A_106 : f32 to vector<16xf32>
      %swap3A_108 = arith.index_cast %scan3A_58 : i32 to index
      %swap3A_109 = arith.constant 112 : index
      %swap3A_110 = tpu.vector_load %arg10[%swap3A_108, %swap3A_109] {strides = array<i32>} : memref<128x128xf32, #tpu.memory_space<vmem>>, vector<1x16xf32>,
      %swap3A_111 = vector.shape_cast %swap3A_110 : vector<1x16xf32> to vector<16xf32>
      %swap3A_112 = vector.shape_cast %broadcast_in_dim3A_107 : vector<16xf32> to vector<1x16xf32>
      tpu.vector_store %arg10[%swap3A_108, %swap3A_109], %swap3A_112 {strides = array<i32>} : memref<128x128xf32, #tpu.memory_space<vmem>>, vector<1x16xf32>,
    }
    %scan3A_5 = arith.constant 128 : i32
    %mul3A_6 = arith.constant 640 : i32
    %mul3A_7 = arith.muli %arg1, %mul3A_6 : i32
    %add3A_8 = arith.constant 0 : i32
    %add3A_9 = arith.addi %mul3A_7, %add3A_8 : i32
    "tpu.region"() ({
      %run_scoped3A = tpu.sem_alloc : memref<!tpu.dma_semaphore, #tpu.memory_space<semaphore_mem>>
      %dma_start3A_58 = arith.constant 0 : i32
      %dma_start3A_59 = tpu.memref_slice %arg12[%add3A_9, %dma_start3A_58] : memref<10240x128xf32, #tpu.memory_space<vmem_shared>> -> memref<128x128xf32, #tpu.memory_space<vmem_shared>>
      %dma_start3A_60 = arith.constant 0 : i32
      %dma_start3A_61 = tpu.memref_slice %arg12[%add3A_9, %dma_start3A_60] : memref<10240x128xf32, #tpu.memory_space<vmem_shared>> -> memref<128x128xf32, #tpu.memory_space<vmem_shared>>
      tpu.enqueue_dma source(%arg10 : memref<128x128xf32, #tpu.memory_space<vmem>>) target(%dma_start3A_61 : memref<128x128xf32, #tpu.memory_space<vmem_shared>>) target_semaphore(%run_scoped3A : memref<!tpu.dma_semaphore, #tpu.memory_space<semaphore_mem>>)
      %dma_wait3A_62 = arith.constant 0 : i32
      %dma_wait3A_63 = tpu.memref_slice %arg12[%add3A_9, %dma_wait3A_62] : memref<10240x128xf32, #tpu.memory_space<vmem_shared>> -> memref<128x128xf32, #tpu.memory_space<vmem_shared>>
      %dma_wait3A_64 = arith.constant 0 : i32
      %dma_wait3A_65 = tpu.memref_slice %arg12[%add3A_9, %dma_wait3A_64] : memref<10240x128xf32, #tpu.memory_space<vmem_shared>> -> memref<128x128xf32, #tpu.memory_space<vmem_shared>>
      tpu.wait_dma2 semaphore(%run_scoped3A : memref<!tpu.dma_semaphore, #tpu.memory_space<semaphore_mem>>) src(%arg10 : memref<128x128xf32, #tpu.memory_space<vmem>>) dst(%dma_wait3A_65 : memref<128x128xf32, #tpu.memory_space<vmem_shared>>)
      tpu.yield
    }) : () -> ()
    %mul3A_10 = arith.constant 640 : i32
    %mul3A_11 = arith.muli %arg1, %mul3A_10 : i32
    %add3A_12 = arith.constant 128 : i32
    %add3A_13 = arith.addi %mul3A_11, %add3A_12 : i32
    "tpu.region"() ({
      %run_scoped3A = tpu.sem_alloc : memref<!tpu.dma_semaphore, #tpu.memory_space<semaphore_mem>>
      %dma_start3A_58 = arith.constant 0 : i32
      %dma_start3A_59 = tpu.memref_slice %arg12[%add3A_13, %dma_start3A_58] : memref<10240x128xf32, #tpu.memory_space<vmem_shared>> -> memref<128x128xf32, #tpu.memory_space<vmem_shared>>
      %dma_start3A_60 = arith.constant 0 : i32
      %dma_start3A_61 = tpu.memref_slice %arg12[%add3A_13, %dma_start3A_60] : memref<10240x128xf32, #tpu.memory_space<vmem_shared>> -> memref<128x128xf32, #tpu.memory_space<vmem_shared>>
      tpu.enqueue_dma source(%arg10 : memref<128x128xf32, #tpu.memory_space<vmem>>) target(%dma_start3A_61 : memref<128x128xf32, #tpu.memory_space<vmem_shared>>) target_semaphore(%run_scoped3A : memref<!tpu.dma_semaphore, #tpu.memory_space<semaphore_mem>>)
      %dma_wait3A_62 = arith.constant 0 : i32
      %dma_wait3A_63 = tpu.memref_slice %arg12[%add3A_13, %dma_wait3A_62] : memref<10240x128xf32, #tpu.memory_space<vmem_shared>> -> memref<128x128xf32, #tpu.memory_space<vmem_shared>>
      %dma_wait3A_64 = arith.constant 0 : i32
      %dma_wait3A_65 = tpu.memref_slice %arg12[%add3A_13, %dma_wait3A_64] : memref<10240x128xf32, #tpu.memory_space<vmem_shared>> -> memref<128x128xf32, #tpu.memory_space<vmem_shared>>
      tpu.wait_dma2 semaphore(%run_scoped3A : memref<!tpu.dma_semaphore, #tpu.memory_space<semaphore_mem>>) src(%arg10 : memref<128x128xf32, #tpu.memory_space<vmem>>) dst(%dma_wait3A_65 : memref<128x128xf32, #tpu.memory_space<vmem_shared>>)
      tpu.yield
    }) : () -> ()
    %mul3A_14 = arith.constant 640 : i32
    %mul3A_15 = arith.muli %arg1, %mul3A_14 : i32
    %add3A_16 = arith.constant 256 : i32
    %add3A_17 = arith.addi %mul3A_15, %add3A_16 : i32
    "tpu.region"() ({
      %run_scoped3A = tpu.sem_alloc : memref<!tpu.dma_semaphore, #tpu.memory_space<semaphore_mem>>
      %dma_start3A_58 = arith.constant 0 : i32
      %dma_start3A_59 = tpu.memref_slice %arg12[%add3A_17, %dma_start3A_58] : memref<10240x128xf32, #tpu.memory_space<vmem_shared>> -> memref<128x128xf32, #tpu.memory_space<vmem_shared>>
      %dma_start3A_60 = arith.constant 0 : i32
      %dma_start3A_61 = tpu.memref_slice %arg12[%add3A_17, %dma_start3A_60] : memref<10240x128xf32, #tpu.memory_space<vmem_shared>> -> memref<128x128xf32, #tpu.memory_space<vmem_shared>>
      tpu.enqueue_dma source(%arg10 : memref<128x128xf32, #tpu.memory_space<vmem>>) target(%dma_start3A_61 : memref<128x128xf32, #tpu.memory_space<vmem_shared>>) target_semaphore(%run_scoped3A : memref<!tpu.dma_semaphore, #tpu.memory_space<semaphore_mem>>)
      %dma_wait3A_62 = arith.constant 0 : i32
      %dma_wait3A_63 = tpu.memref_slice %arg12[%add3A_17, %dma_wait3A_62] : memref<10240x128xf32, #tpu.memory_space<vmem_shared>> -> memref<128x128xf32, #tpu.memory_space<vmem_shared>>
      %dma_wait3A_64 = arith.constant 0 : i32
      %dma_wait3A_65 = tpu.memref_slice %arg12[%add3A_17, %dma_wait3A_64] : memref<10240x128xf32, #tpu.memory_space<vmem_shared>> -> memref<128x128xf32, #tpu.memory_space<vmem_shared>>
      tpu.wait_dma2 semaphore(%run_scoped3A : memref<!tpu.dma_semaphore, #tpu.memory_space<semaphore_mem>>) src(%arg10 : memref<128x128xf32, #tpu.memory_space<vmem>>) dst(%dma_wait3A_65 : memref<128x128xf32, #tpu.memory_space<vmem_shared>>)
      tpu.yield
    }) : () -> ()
    %mul3A_18 = arith.constant 640 : i32
    %mul3A_19 = arith.muli %arg1, %mul3A_18 : i32
    %add3A_20 = arith.constant 384 : i32
    %add3A_21 = arith.addi %mul3A_19, %add3A_20 : i32
    "tpu.region"() ({
      %run_scoped3A = tpu.sem_alloc : memref<!tpu.dma_semaphore, #tpu.memory_space<semaphore_mem>>
      %dma_start3A_58 = arith.constant 0 : i32
      %dma_start3A_59 = tpu.memref_slice %arg12[%add3A_21, %dma_start3A_58] : memref<10240x128xf32, #tpu.memory_space<vmem_shared>> -> memref<128x128xf32, #tpu.memory_space<vmem_shared>>
      %dma_start3A_60 = arith.constant 0 : i32
      %dma_start3A_61 = tpu.memref_slice %arg12[%add3A_21, %dma_start3A_60] : memref<10240x128xf32, #tpu.memory_space<vmem_shared>> -> memref<128x128xf32, #tpu.memory_space<vmem_shared>>
      tpu.enqueue_dma source(%arg10 : memref<128x128xf32, #tpu.memory_space<vmem>>) target(%dma_start3A_61 : memref<128x128xf32, #tpu.memory_space<vmem_shared>>) target_semaphore(%run_scoped3A : memref<!tpu.dma_semaphore, #tpu.memory_space<semaphore_mem>>)
      %dma_wait3A_62 = arith.constant 0 : i32
      %dma_wait3A_63 = tpu.memref_slice %arg12[%add3A_21, %dma_wait3A_62] : memref<10240x128xf32, #tpu.memory_space<vmem_shared>> -> memref<128x128xf32, #tpu.memory_space<vmem_shared>>
      %dma_wait3A_64 = arith.constant 0 : i32
      %dma_wait3A_65 = tpu.memref_slice %arg12[%add3A_21, %dma_wait3A_64] : memref<10240x128xf32, #tpu.memory_space<vmem_shared>> -> memref<128x128xf32, #tpu.memory_space<vmem_shared>>
      tpu.wait_dma2 semaphore(%run_scoped3A : memref<!tpu.dma_semaphore, #tpu.memory_space<semaphore_mem>>) src(%arg10 : memref<128x128xf32, #tpu.memory_space<vmem>>) dst(%dma_wait3A_65 : memref<128x128xf32, #tpu.memory_space<vmem_shared>>)
      tpu.yield
    }) : () -> ()
    %mul3A_22 = arith.constant 640 : i32
    %mul3A_23 = arith.muli %arg1, %mul3A_22 : i32
    %add3A_24 = arith.constant 512 : i32
    %add3A_25 = arith.addi %mul3A_23, %add3A_24 : i32
    "tpu.region"() ({
      %run_scoped3A = tpu.sem_alloc : memref<!tpu.dma_semaphore, #tpu.memory_space<semaphore_mem>>
      %dma_start3A_58 = arith.constant 0 : i32
      %dma_start3A_59 = tpu.memref_slice %arg12[%add3A_25, %dma_start3A_58] : memref<10240x128xf32, #tpu.memory_space<vmem_shared>> -> memref<128x128xf32, #tpu.memory_space<vmem_shared>>
      %dma_start3A_60 = arith.constant 0 : i32
      %dma_start3A_61 = tpu.memref_slice %arg12[%add3A_25, %dma_start3A_60] : memref<10240x128xf32, #tpu.memory_space<vmem_shared>> -> memref<128x128xf32, #tpu.memory_space<vmem_shared>>
      tpu.enqueue_dma source(%arg10 : memref<128x128xf32, #tpu.memory_space<vmem>>) target(%dma_start3A_61 : memref<128x128xf32, #tpu.memory_space<vmem_shared>>) target_semaphore(%run_scoped3A : memref<!tpu.dma_semaphore, #tpu.memory_space<semaphore_mem>>)
      %dma_wait3A_62 = arith.constant 0 : i32
      %dma_wait3A_63 = tpu.memref_slice %arg12[%add3A_25, %dma_wait3A_62] : memref<10240x128xf32, #tpu.memory_space<vmem_shared>> -> memref<128x128xf32, #tpu.memory_space<vmem_shared>>
      %dma_wait3A_64 = arith.constant 0 : i32
      %dma_wait3A_65 = tpu.memref_slice %arg12[%add3A_25, %dma_wait3A_64] : memref<10240x128xf32, #tpu.memory_space<vmem_shared>> -> memref<128x128xf32, #tpu.memory_space<vmem_shared>>
      tpu.wait_dma2 semaphore(%run_scoped3A : memref<!tpu.dma_semaphore, #tpu.memory_space<semaphore_mem>>) src(%arg10 : memref<128x128xf32, #tpu.memory_space<vmem>>) dst(%dma_wait3A_65 : memref<128x128xf32, #tpu.memory_space<vmem_shared>>)
      tpu.yield
    }) : () -> ()
    %barrier3A = arith.constant 0 : index
    tpu.barrier barrier_id(%barrier3A)
    %mul3A_26 = arith.constant 80 : i32
    %mul3A_27 = arith.muli %add3A, %mul3A_26 : i32
    %mul3A_28 = arith.constant 128 : i32
    %mul3A_29 = arith.muli %mul3A_27, %mul3A_28 : i32
    %dma_start3A = tpu.memref_slice %arg3[%mul3A_29] : memref<327680xi32, #tpu.memory_space<hbm>> -> memref<128xi32, #tpu.memory_space<hbm>>
    %dma_start3A_30 = tpu.memref_slice %arg3[%mul3A_29] : memref<327680xi32, #tpu.memory_space<hbm>> -> memref<128xi32, #tpu.memory_space<hbm>>
    tpu.enqueue_dma source(%dma_start3A_30 : memref<128xi32, #tpu.memory_space<hbm>>) target(%arg6 : memref<128xi32, #tpu.memory_space<vmem>>) target_semaphore(%arg17 : memref<!tpu.dma_semaphore, #tpu.memory_space<semaphore_mem>>)
    %add3A_31 = arith.constant 128 : i32
    %add3A_32 = arith.addi %mul3A_29, %add3A_31 : i32
    %dma_start3A_33 = tpu.memref_slice %arg3[%add3A_32] : memref<327680xi32, #tpu.memory_space<hbm>> -> memref<128xi32, #tpu.memory_space<hbm>>
    %dma_start3A_34 = tpu.memref_slice %arg3[%add3A_32] : memref<327680xi32, #tpu.memory_space<hbm>> -> memref<128xi32, #tpu.memory_space<hbm>>
    tpu.enqueue_dma source(%dma_start3A_34 : memref<128xi32, #tpu.memory_space<hbm>>) target(%arg7 : memref<128xi32, #tpu.memory_space<vmem>>) target_semaphore(%arg18 : memref<!tpu.dma_semaphore, #tpu.memory_space<semaphore_mem>>)
    %dma_start3A_35 = tpu.memref_slice %arg4[%mul3A_29] : memref<327680xi32, #tpu.memory_space<hbm>> -> memref<128xi32, #tpu.memory_space<hbm>>
    %dma_start3A_36 = tpu.memref_slice %arg4[%mul3A_29] : memref<327680xi32, #tpu.memory_space<hbm>> -> memref<128xi32, #tpu.memory_space<hbm>>
    tpu.enqueue_dma source(%dma_start3A_36 : memref<128xi32, #tpu.memory_space<hbm>>) target(%arg8 : memref<128xi32, #tpu.memory_space<vmem>>) target_semaphore(%arg15 : memref<!tpu.dma_semaphore, #tpu.memory_space<semaphore_mem>>)
    %dma_wait3A = tpu.memref_slice %arg3[%mul3A_29] : memref<327680xi32, #tpu.memory_space<hbm>> -> memref<128xi32, #tpu.memory_space<hbm>>
    %dma_wait3A_37 = tpu.memref_slice %arg3[%mul3A_29] : memref<327680xi32, #tpu.memory_space<hbm>> -> memref<128xi32, #tpu.memory_space<hbm>>
    tpu.wait_dma2 semaphore(%arg17 : memref<!tpu.dma_semaphore, #tpu.memory_space<semaphore_mem>>) src(%dma_wait3A_37 : memref<128xi32, #tpu.memory_space<hbm>>) dst(%arg6 : memref<128xi32, #tpu.memory_space<vmem>>)
    %dma_start3A_38 = arith.constant 0 : i32
    %dma_start3A_39 = arith.constant 0 : i32
    %dma_start3A_40 = tpu.memref_slice %arg2[%dma_start3A_38, %dma_start3A_39] : memref<10000x128xf32, #tpu.memory_space<hbm>> -> memref<10000x128xf32, #tpu.memory_space<hbm>>
    tpu.enqueue_indirect_dma source(%dma_start3A_40 : memref<10000x128xf32, #tpu.memory_space<hbm>>) target(%arg10 : memref<128x128xf32, #tpu.memory_space<vmem>>) offsets(%arg6 : memref<128xi32, #tpu.memory_space<vmem>>) semaphore(%arg13 : memref<!tpu.dma_semaphore, #tpu.memory_space<semaphore_mem>>)
    %scan3A_41 = arith.constant 0 : i32
    %scan3A_42 = arith.constant 0 : i32
    %scan3A_43 = arith.constant 40 : i32
    %scan3A_44 = arith.addi %scan3A_42, %scan3A_43 : i32
    %scan3A_45 = arith.constant 1 : i32
    scf.for %scan3A_58 = %scan3A_42 to %scan3A_44 step %scan3A_45  : i32 {
      %mul3A_59 = arith.constant 2 : i32
      %mul3A_60 = arith.muli %mul3A_59, %scan3A_58 : i32
      %add3A_61 = arith.constant 0 : i32
      %add3A_62 = arith.addi %mul3A_60, %add3A_61 : i32
      %add3A_63 = arith.constant 1 : i32
      %add3A_64 = arith.addi %add3A_62, %add3A_63 : i32
      %lt3A = arith.constant 80 : i32
      %lt3A_65 = arith.cmpi slt, %add3A_64, %lt3A : i32
      %convert_element_type3A = arith.extui %lt3A_65 : i1 to i32
      %cond3A = arith.constant 0 : i32
      %cond3A_66 = arith.cmpi ne, %convert_element_type3A, %cond3A : i32
      scf.if %cond3A_66 {
        %add3A_114 = arith.constant 1 : i32
        %add3A_115 = arith.addi %add3A_62, %add3A_114 : i32
        %mul3A_116 = arith.constant 128 : i32
        %mul3A_117 = arith.muli %add3A_115, %mul3A_116 : i32
        %add3A_118 = arith.addi %mul3A_29, %mul3A_117 : i32
        %dma_wait3A_119 = tpu.memref_slice %arg3[%add3A_118] : memref<327680xi32, #tpu.memory_space<hbm>> -> memref<128xi32, #tpu.memory_space<hbm>>
        %dma_wait3A_120 = tpu.memref_slice %arg3[%add3A_118] : memref<327680xi32, #tpu.memory_space<hbm>> -> memref<128xi32, #tpu.memory_space<hbm>>
        tpu.wait_dma2 semaphore(%arg18 : memref<!tpu.dma_semaphore, #tpu.memory_space<semaphore_mem>>) src(%dma_wait3A_120 : memref<128xi32, #tpu.memory_space<hbm>>) dst(%arg7 : memref<128xi32, #tpu.memory_space<vmem>>)
        %ge3A = arith.constant 1 : i32
        %ge3A_121 = arith.cmpi sge, %add3A_62, %ge3A : i32
        %convert_element_type3A_122 = arith.extui %ge3A_121 : i1 to i32
        %cond3A_123 = arith.constant 0 : i32
        %cond3A_124 = arith.cmpi ne, %convert_element_type3A_122, %cond3A_123 : i32
        scf.if %cond3A_124 {
          %dma_wait3A_135 = arith.constant 0 : i32
          %dma_wait3A_136 = arith.constant 0 : i32
          %dma_wait3A_137 = tpu.memref_slice %arg12[%dma_wait3A_135, %dma_wait3A_136] : memref<10240x128xf32, #tpu.memory_space<vmem_shared>> -> memref<10240x128xf32, #tpu.memory_space<vmem_shared>>
          tpu.wait_indirect_dma semaphore(%arg20 : memref<!tpu.dma_semaphore, #tpu.memory_space<semaphore_mem>>) src(%arg11 : memref<128x128xf32, #tpu.memory_space<vmem>>) dst(%dma_wait3A_137 : memref<10240x128xf32, #tpu.memory_space<vmem_shared>>)
        } else {
        }
        %add3A_125 = arith.constant 1 : i32
        %add3A_126 = arith.addi %add3A_62, %add3A_125 : i32
        %mul3A_127 = arith.constant 128 : i32
        %mul3A_128 = arith.muli %add3A_126, %mul3A_127 : i32
        %add3A_129 = arith.addi %mul3A_29, %mul3A_128 : i32
        %dma_start3A_130 = tpu.memref_slice %arg4[%add3A_129] : memref<327680xi32, #tpu.memory_space<hbm>> -> memref<128xi32, #tpu.memory_space<hbm>>
        %dma_start3A_131 = tpu.memref_slice %arg4[%add3A_129] : memref<327680xi32, #tpu.memory_space<hbm>> -> memref<128xi32, #tpu.memory_space<hbm>>
        tpu.enqueue_dma source(%dma_start3A_131 : memref<128xi32, #tpu.memory_space<hbm>>) target(%arg9 : memref<128xi32, #tpu.memory_space<vmem>>) target_semaphore(%arg16 : memref<!tpu.dma_semaphore, #tpu.memory_space<semaphore_mem>>)
        %dma_start3A_132 = arith.constant 0 : i32
        %dma_start3A_133 = arith.constant 0 : i32
        %dma_start3A_134 = tpu.memref_slice %arg2[%dma_start3A_132, %dma_start3A_133] : memref<10000x128xf32, #tpu.memory_space<hbm>> -> memref<10000x128xf32, #tpu.memory_space<hbm>>
        tpu.enqueue_indirect_dma source(%dma_start3A_134 : memref<10000x128xf32, #tpu.memory_space<hbm>>) target(%arg11 : memref<128x128xf32, #tpu.memory_space<vmem>>) offsets(%arg7 : memref<128xi32, #tpu.memory_space<vmem>>) semaphore(%arg14 : memref<!tpu.dma_semaphore, #tpu.memory_space<semaphore_mem>>)
      } else {
      }
      %mul3A_67 = arith.constant 128 : i32
      %mul3A_68 = arith.muli %add3A_62, %mul3A_67 : i32
      %add3A_69 = arith.addi %mul3A_29, %mul3A_68 : i32
      %dma_wait3A_70 = tpu.memref_slice %arg4[%add3A_69] : memref<327680xi32, #tpu.memory_space<hbm>> -> memref<128xi32, #tpu.memory_space<hbm>>
      %dma_wait3A_71 = tpu.memref_slice %arg4[%add3A_69] : memref<327680xi32, #tpu.memory_space<hbm>> -> memref<128xi32, #tpu.memory_space<hbm>>
      tpu.wait_dma2 semaphore(%arg15 : memref<!tpu.dma_semaphore, #tpu.memory_space<semaphore_mem>>) src(%dma_wait3A_71 : memref<128xi32, #tpu.memory_space<hbm>>) dst(%arg8 : memref<128xi32, #tpu.memory_space<vmem>>)
      %dma_wait3A_72 = arith.constant 0 : i32
      %dma_wait3A_73 = arith.constant 0 : i32
      %dma_wait3A_74 = tpu.memref_slice %arg2[%dma_wait3A_72, %dma_wait3A_73] : memref<10000x128xf32, #tpu.memory_space<hbm>> -> memref<10000x128xf32, #tpu.memory_space<hbm>>
      tpu.wait_indirect_dma semaphore(%arg13 : memref<!tpu.dma_semaphore, #tpu.memory_space<semaphore_mem>>) src(%dma_wait3A_74 : memref<10000x128xf32, #tpu.memory_space<hbm>>) dst(%arg10 : memref<128x128xf32, #tpu.memory_space<vmem>>)
      %dma_start3A_75 = arith.constant 0 : i32
      %dma_start3A_76 = arith.constant 0 : i32
      %dma_start3A_77 = tpu.memref_slice %arg12[%dma_start3A_75, %dma_start3A_76] : memref<10240x128xf32, #tpu.memory_space<vmem_shared>> -> memref<10240x128xf32, #tpu.memory_space<vmem_shared>>
      tpu.enqueue_indirect_dma source(%arg10 : memref<128x128xf32, #tpu.memory_space<vmem>>) target(%dma_start3A_77 : memref<10240x128xf32, #tpu.memory_space<vmem_shared>>) offsets(%arg8 : memref<128xi32, #tpu.memory_space<vmem>>) semaphore(%arg19 : memref<!tpu.dma_semaphore, #tpu.memory_space<semaphore_mem>>) {add = true}
      %add3A_78 = arith.constant 2 : i32
      %add3A_79 = arith.addi %add3A_62, %add3A_78 : i32
      %lt3A_80 = arith.constant 80 : i32
      %lt3A_81 = arith.cmpi slt, %add3A_79, %lt3A_80 : i32
      %convert_element_type3A_82 = arith.extui %lt3A_81 : i1 to i32
      %cond3A_83 = arith.constant 0 : i32
      %cond3A_84 = arith.cmpi ne, %convert_element_type3A_82, %cond3A_83 : i32
      scf.if %cond3A_84 {
        %add3A_114 = arith.constant 2 : i32
        %add3A_115 = arith.addi %add3A_62, %add3A_114 : i32
        %mul3A_116 = arith.constant 128 : i32
        %mul3A_117 = arith.muli %add3A_115, %mul3A_116 : i32
        %add3A_118 = arith.addi %mul3A_29, %mul3A_117 : i32
        %dma_start3A_119 = tpu.memref_slice %arg3[%add3A_118] : memref<327680xi32, #tpu.memory_space<hbm>> -> memref<128xi32, #tpu.memory_space<hbm>>
        %dma_start3A_120 = tpu.memref_slice %arg3[%add3A_118] : memref<327680xi32, #tpu.memory_space<hbm>> -> memref<128xi32, #tpu.memory_space<hbm>>
        tpu.enqueue_dma source(%dma_start3A_120 : memref<128xi32, #tpu.memory_space<hbm>>) target(%arg6 : memref<128xi32, #tpu.memory_space<vmem>>) target_semaphore(%arg17 : memref<!tpu.dma_semaphore, #tpu.memory_space<semaphore_mem>>)
      } else {
      }
      %mul3A_85 = arith.constant 2 : i32
      %mul3A_86 = arith.muli %mul3A_85, %scan3A_58 : i32
      %add3A_87 = arith.constant 1 : i32
      %add3A_88 = arith.addi %mul3A_86, %add3A_87 : i32
      %add3A_89 = arith.constant 1 : i32
      %add3A_90 = arith.addi %add3A_88, %add3A_89 : i32
      %lt3A_91 = arith.constant 80 : i32
      %lt3A_92 = arith.cmpi slt, %add3A_90, %lt3A_91 : i32
      %convert_element_type3A_93 = arith.extui %lt3A_92 : i1 to i32
      %cond3A_94 = arith.constant 0 : i32
      %cond3A_95 = arith.cmpi ne, %convert_element_type3A_93, %cond3A_94 : i32
      scf.if %cond3A_95 {
        %add3A_114 = arith.constant 1 : i32
        %add3A_115 = arith.addi %add3A_88, %add3A_114 : i32
        %mul3A_116 = arith.constant 128 : i32
        %mul3A_117 = arith.muli %add3A_115, %mul3A_116 : i32
        %add3A_118 = arith.addi %mul3A_29, %mul3A_117 : i32
        %dma_wait3A_119 = tpu.memref_slice %arg3[%add3A_118] : memref<327680xi32, #tpu.memory_space<hbm>> -> memref<128xi32, #tpu.memory_space<hbm>>
        %dma_wait3A_120 = tpu.memref_slice %arg3[%add3A_118] : memref<327680xi32, #tpu.memory_space<hbm>> -> memref<128xi32, #tpu.memory_space<hbm>>
        tpu.wait_dma2 semaphore(%arg17 : memref<!tpu.dma_semaphore, #tpu.memory_space<semaphore_mem>>) src(%dma_wait3A_120 : memref<128xi32, #tpu.memory_space<hbm>>) dst(%arg6 : memref<128xi32, #tpu.memory_space<vmem>>)
        %ge3A = arith.constant 1 : i32
        %ge3A_121 = arith.cmpi sge, %add3A_88, %ge3A : i32
        %convert_element_type3A_122 = arith.extui %ge3A_121 : i1 to i32
        %cond3A_123 = arith.constant 0 : i32
        %cond3A_124 = arith.cmpi ne, %convert_element_type3A_122, %cond3A_123 : i32
        scf.if %cond3A_124 {
          %dma_wait3A_135 = arith.constant 0 : i32
          %dma_wait3A_136 = arith.constant 0 : i32
          %dma_wait3A_137 = tpu.memref_slice %arg12[%dma_wait3A_135, %dma_wait3A_136] : memref<10240x128xf32, #tpu.memory_space<vmem_shared>> -> memref<10240x128xf32, #tpu.memory_space<vmem_shared>>
          tpu.wait_indirect_dma semaphore(%arg19 : memref<!tpu.dma_semaphore, #tpu.memory_space<semaphore_mem>>) src(%arg10 : memref<128x128xf32, #tpu.memory_space<vmem>>) dst(%dma_wait3A_137 : memref<10240x128xf32, #tpu.memory_space<vmem_shared>>)
        } else {
        }
        %add3A_125 = arith.constant 1 : i32
        %add3A_126 = arith.addi %add3A_88, %add3A_125 : i32
        %mul3A_127 = arith.constant 128 : i32
        %mul3A_128 = arith.muli %add3A_126, %mul3A_127 : i32
        %add3A_129 = arith.addi %mul3A_29, %mul3A_128 : i32
        %dma_start3A_130 = tpu.memref_slice %arg4[%add3A_129] : memref<327680xi32, #tpu.memory_space<hbm>> -> memref<128xi32, #tpu.memory_space<hbm>>
        %dma_start3A_131 = tpu.memref_slice %arg4[%add3A_129] : memref<327680xi32, #tpu.memory_space<hbm>> -> memref<128xi32, #tpu.memory_space<hbm>>
        tpu.enqueue_dma source(%dma_start3A_131 : memref<128xi32, #tpu.memory_space<hbm>>) target(%arg8 : memref<128xi32, #tpu.memory_space<vmem>>) target_semaphore(%arg15 : memref<!tpu.dma_semaphore, #tpu.memory_space<semaphore_mem>>)
        %dma_start3A_132 = arith.constant 0 : i32
        %dma_start3A_133 = arith.constant 0 : i32
        %dma_start3A_134 = tpu.memref_slice %arg2[%dma_start3A_132, %dma_start3A_133] : memref<10000x128xf32, #tpu.memory_space<hbm>> -> memref<10000x128xf32, #tpu.memory_space<hbm>>
        tpu.enqueue_indirect_dma source(%dma_start3A_134 : memref<10000x128xf32, #tpu.memory_space<hbm>>) target(%arg10 : memref<128x128xf32, #tpu.memory_space<vmem>>) offsets(%arg6 : memref<128xi32, #tpu.memory_space<vmem>>) semaphore(%arg13 : memref<!tpu.dma_semaphore, #tpu.memory_space<semaphore_mem>>)
      } else {
      }
      %mul3A_96 = arith.constant 128 : i32
      %mul3A_97 = arith.muli %add3A_88, %mul3A_96 : i32
      %add3A_98 = arith.addi %mul3A_29, %mul3A_97 : i32
      %dma_wait3A_99 = tpu.memref_slice %arg4[%add3A_98] : memref<327680xi32, #tpu.memory_space<hbm>> -> memref<128xi32, #tpu.memory_space<hbm>>
      %dma_wait3A_100 = tpu.memref_slice %arg4[%add3A_98] : memref<327680xi32, #tpu.memory_space<hbm>> -> memref<128xi32, #tpu.memory_space<hbm>>
      tpu.wait_dma2 semaphore(%arg16 : memref<!tpu.dma_semaphore, #tpu.memory_space<semaphore_mem>>) src(%dma_wait3A_100 : memref<128xi32, #tpu.memory_space<hbm>>) dst(%arg9 : memref<128xi32, #tpu.memory_space<vmem>>)
      %dma_wait3A_101 = arith.constant 0 : i32
      %dma_wait3A_102 = arith.constant 0 : i32
      %dma_wait3A_103 = tpu.memref_slice %arg2[%dma_wait3A_101, %dma_wait3A_102] : memref<10000x128xf32, #tpu.memory_space<hbm>> -> memref<10000x128xf32, #tpu.memory_space<hbm>>
      tpu.wait_indirect_dma semaphore(%arg14 : memref<!tpu.dma_semaphore, #tpu.memory_space<semaphore_mem>>) src(%dma_wait3A_103 : memref<10000x128xf32, #tpu.memory_space<hbm>>) dst(%arg11 : memref<128x128xf32, #tpu.memory_space<vmem>>)
      %dma_start3A_104 = arith.constant 0 : i32
      %dma_start3A_105 = arith.constant 0 : i32
      %dma_start3A_106 = tpu.memref_slice %arg12[%dma_start3A_104, %dma_start3A_105] : memref<10240x128xf32, #tpu.memory_space<vmem_shared>> -> memref<10240x128xf32, #tpu.memory_space<vmem_shared>>
      tpu.enqueue_indirect_dma source(%arg11 : memref<128x128xf32, #tpu.memory_space<vmem>>) target(%dma_start3A_106 : memref<10240x128xf32, #tpu.memory_space<vmem_shared>>) offsets(%arg9 : memref<128xi32, #tpu.memory_space<vmem>>) semaphore(%arg20 : memref<!tpu.dma_semaphore, #tpu.memory_space<semaphore_mem>>) {add = true}
      %add3A_107 = arith.constant 2 : i32
      %add3A_108 = arith.addi %add3A_88, %add3A_107 : i32
      %lt3A_109 = arith.constant 80 : i32
      %lt3A_110 = arith.cmpi slt, %add3A_108, %lt3A_109 : i32
      %convert_element_type3A_111 = arith.extui %lt3A_110 : i1 to i32
      %cond3A_112 = arith.constant 0 : i32
      %cond3A_113 = arith.cmpi ne, %convert_element_type3A_111, %cond3A_112 : i32
      scf.if %cond3A_113 {
        %add3A_114 = arith.constant 2 : i32
        %add3A_115 = arith.addi %add3A_88, %add3A_114 : i32
        %mul3A_116 = arith.constant 128 : i32
        %mul3A_117 = arith.muli %add3A_115, %mul3A_116 : i32
        %add3A_118 = arith.addi %mul3A_29, %mul3A_117 : i32
        %dma_start3A_119 = tpu.memref_slice %arg3[%add3A_118] : memref<327680xi32, #tpu.memory_space<hbm>> -> memref<128xi32, #tpu.memory_space<hbm>>
        %dma_start3A_120 = tpu.memref_slice %arg3[%add3A_118] : memref<327680xi32, #tpu.memory_space<hbm>> -> memref<128xi32, #tpu.memory_space<hbm>>
        tpu.enqueue_dma source(%dma_start3A_120 : memref<128xi32, #tpu.memory_space<hbm>>) target(%arg7 : memref<128xi32, #tpu.memory_space<vmem>>) target_semaphore(%arg18 : memref<!tpu.dma_semaphore, #tpu.memory_space<semaphore_mem>>)
      } else {
      }
    }
    %scan3A_46 = arith.constant 40 : i32
    %dma_wait3A_47 = arith.constant 0 : i32
    %dma_wait3A_48 = arith.constant 0 : i32
    %dma_wait3A_49 = tpu.memref_slice %arg12[%dma_wait3A_47, %dma_wait3A_48] : memref<10240x128xf32, #tpu.memory_space<vmem_shared>> -> memref<10240x128xf32, #tpu.memory_space<vmem_shared>>
    tpu.wait_indirect_dma semaphore(%arg19 : memref<!tpu.dma_semaphore, #tpu.memory_space<semaphore_mem>>) src(%arg10 : memref<128x128xf32, #tpu.memory_space<vmem>>) dst(%dma_wait3A_49 : memref<10240x128xf32, #tpu.memory_space<vmem_shared>>)
    %dma_wait3A_50 = arith.constant 0 : i32
    %dma_wait3A_51 = arith.constant 0 : i32
    %dma_wait3A_52 = tpu.memref_slice %arg12[%dma_wait3A_50, %dma_wait3A_51] : memref<10240x128xf32, #tpu.memory_space<vmem_shared>> -> memref<10240x128xf32, #tpu.memory_space<vmem_shared>>
    tpu.wait_indirect_dma semaphore(%arg20 : memref<!tpu.dma_semaphore, #tpu.memory_space<semaphore_mem>>) src(%arg11 : memref<128x128xf32, #tpu.memory_space<vmem>>) dst(%dma_wait3A_52 : memref<10240x128xf32, #tpu.memory_space<vmem_shared>>)
    %barrier3A_53 = arith.constant 0 : index
    tpu.barrier barrier_id(%barrier3A_53)
    %mul3A_54 = arith.constant 640 : i32
    %mul3A_55 = arith.muli %arg1, %mul3A_54 : i32
    %mul3A_56 = arith.constant 640 : i32
    %mul3A_57 = arith.muli %arg1, %mul3A_56 : i32
    "tpu.region"() ({
      %run_scoped3A = tpu.sem_alloc : memref<!tpu.dma_semaphore, #tpu.memory_space<semaphore_mem>>
      %dma_start3A_58 = arith.constant 0 : i32
      %dma_start3A_59 = tpu.memref_slice %arg5[%arg0, %mul3A_57, %dma_start3A_58] : memref<2x10240x128xf32, #tpu.memory_space<hbm>> -> memref<1x640x128xf32, #tpu.memory_space<hbm>>
      %dma_start3A_60 = tpu.memref_squeeze %dma_start3A_59 : memref<1x640x128xf32, #tpu.memory_space<hbm>> -> memref<640x128xf32, #tpu.memory_space<hbm>>
      %dma_start3A_61 = arith.constant 0 : i32
      %dma_start3A_62 = tpu.memref_slice %arg12[%mul3A_55, %dma_start3A_61] : memref<10240x128xf32, #tpu.memory_space<vmem_shared>> -> memref<640x128xf32, #tpu.memory_space<vmem_shared>>
      tpu.enqueue_dma source(%dma_start3A_62 : memref<640x128xf32, #tpu.memory_space<vmem_shared>>) target(%dma_start3A_60 : memref<640x128xf32, #tpu.memory_space<hbm>>) target_semaphore(%run_scoped3A : memref<!tpu.dma_semaphore, #tpu.memory_space<semaphore_mem>>)
      %dma_wait3A_63 = arith.constant 0 : i32
      %dma_wait3A_64 = tpu.memref_slice %arg5[%arg0, %mul3A_57, %dma_wait3A_63] : memref<2x10240x128xf32, #tpu.memory_space<hbm>> -> memref<1x640x128xf32, #tpu.memory_space<hbm>>
      %dma_wait3A_65 = tpu.memref_squeeze %dma_wait3A_64 : memref<1x640x128xf32, #tpu.memory_space<hbm>> -> memref<640x128xf32, #tpu.memory_space<hbm>>
      %dma_wait3A_66 = arith.constant 0 : i32
      %dma_wait3A_67 = tpu.memref_slice %arg12[%mul3A_55, %dma_wait3A_66] : memref<10240x128xf32, #tpu.memory_space<vmem_shared>> -> memref<640x128xf32, #tpu.memory_space<vmem_shared>>
      tpu.wait_dma2 semaphore(%run_scoped3A : memref<!tpu.dma_semaphore, #tpu.memory_space<semaphore_mem>>) src(%dma_wait3A_67 : memref<640x128xf32, #tpu.memory_space<vmem_shared>>) dst(%dma_wait3A_65 : memref<640x128xf32, #tpu.memory_space<hbm>>)
      tpu.yield
    }) : () -> ()
    return
  }
}

module attributes {stable_mosaic.version = 14 : i64} {
  func.func @_tc_body(%arg0: i32, %arg1: memref<2000x128xf32, #tpu.memory_space<vmem>>, %arg2: memref<2x2000x128xf32, #tpu.memory_space<vmem>>, %arg3: memref<3x256x128xf32, #tpu.memory_space<vmem>>, %arg4: memref<3x128xf32, #tpu.memory_space<vmem>>, %arg5: memref<3x128x384xf32, #tpu.memory_space<vmem>>, %arg6: memref<2000x128xf32, #tpu.memory_space<vmem>>, %arg7: memref<2000x128xf32, #tpu.memory_space<vmem>>, %arg8: memref<2000x128xf32, #tpu.memory_space<vmem>>, %arg9: memref<2000x128xf32, #tpu.memory_space<vmem>>, %arg10: memref<2000x128xf32, #tpu.memory_space<vmem>>, %arg11: memref<2000x128xf32, #tpu.memory_space<vmem>>, %arg12: memref<2000x128xf32, #tpu.memory_space<vmem>>, %arg13: memref<2000x128xf32, #tpu.memory_space<vmem>>, %arg14: memref<2000x128xf32, #tpu.memory_space<vmem>>) attributes {dimension_semantics = [#tpu.dimension_semantics<arbitrary>], iteration_bounds = array<i64: 5>, scalar_prefetch = 0 : i64, scratch_operands = 0 : i64, tpu.core_type = #tpu.core_type<tc>, window_params = [{transform_indices = @transform_0, window_bounds = array<i64: 2000, 128>}, {transform_indices = @transform_1, window_bounds = array<i64: 2, 2000, 128>}, {pipeline_mode = #tpu.pipeline_mode<synchronous>, transform_indices = @transform_2, window_bounds = array<i64: 3, 256, 128>}, {pipeline_mode = #tpu.pipeline_mode<synchronous>, transform_indices = @transform_3, window_bounds = array<i64: 3, 128>}, {pipeline_mode = #tpu.pipeline_mode<synchronous>, transform_indices = @transform_4, window_bounds = array<i64: 3, 128, 384>}, {transform_indices = @transform_5, window_bounds = array<i64: 2000, 128>}, {transform_indices = @transform_6, window_bounds = array<i64: 2000, 128>}, {transform_indices = @transform_7, window_bounds = array<i64: 2000, 128>}, {transform_indices = @transform_8, window_bounds = array<i64: 2000, 128>}, {transform_indices = @transform_9, window_bounds = array<i64: 2000, 128>}, {transform_indices = @transform_10, window_bounds = array<i64: 2000, 128>}, {transform_indices = @transform_11, window_bounds = array<i64: 2000, 128>}, {transform_indices = @transform_12, window_bounds = array<i64: 2000, 128>}, {transform_indices = @transform_13, window_bounds = array<i64: 2000, 128>}]} {
    %get3A = arith.constant 0 : index
    %get3A_0 = arith.constant 0 : index
    %get3A_1 = vector.load %arg1[%get3A, %get3A_0] : memref<2000x128xf32, #tpu.memory_space<vmem>>, vector<2000x128xf32>
    %get3A_2 = arith.constant 0 : index
    %get3A_3 = arith.constant 0 : index
    %get3A_4 = arith.constant 0 : index
    %get3A_5 = vector.load %arg2[%get3A_2, %get3A_3, %get3A_4] : memref<2x2000x128xf32, #tpu.memory_space<vmem>>, vector<1x2000x128xf32>
    %get3A_6 = vector.shape_cast %get3A_5 : vector<1x2000x128xf32> to vector<2000x128xf32>
    %get3A_7 = arith.constant 1 : index
    %get3A_8 = arith.constant 0 : index
    %get3A_9 = arith.constant 0 : index
    %get3A_10 = vector.load %arg2[%get3A_7, %get3A_8, %get3A_9] : memref<2x2000x128xf32, #tpu.memory_space<vmem>>, vector<1x2000x128xf32>
    %get3A_11 = vector.shape_cast %get3A_10 : vector<1x2000x128xf32> to vector<2000x128xf32>
    %add3A = arith.addf %get3A_6, %get3A_11 : vector<2000x128xf32>
    %concatenate3A = tpu.concatenate %get3A_1, %add3A in 1 : vector<2000x128xf32>, vector<2000x128xf32> -> vector<2000x256xf32>
    %get3A_12 = arith.constant 0 : index
    %get3A_13 = arith.constant 0 : index
    %get3A_14 = arith.constant 0 : index
    %get3A_15 = vector.load %arg3[%get3A_12, %get3A_13, %get3A_14] : memref<3x256x128xf32, #tpu.memory_space<vmem>>, vector<1x256x128xf32>
    %get3A_16 = vector.shape_cast %get3A_15 : vector<1x256x128xf32> to vector<256x128xf32>
    %dot_general3A = arith.constant dense<0.000000e+00> : vector<2000x128xf32>
    %dot_general3A_17 = tpu.matmul %concatenate3A, %get3A_16, %dot_general3A {dimension_numbers = #tpu.dot_dimension_numbers<[1], [0], [0], [1], [0, 0, 1, 1], [], []>, transpose_lhs_hint = false} : vector<2000x256xf32>, vector<256x128xf32>, vector<2000x128xf32> -> vector<2000x128xf32>
    %get3A_18 = arith.constant 0 : index
    %get3A_19 = arith.constant 0 : index
    %get3A_20 = vector.load %arg4[%get3A_18, %get3A_19] : memref<3x128xf32, #tpu.memory_space<vmem>>, vector<1x128xf32>
    %get3A_21 = vector.shape_cast %get3A_20 : vector<1x128xf32> to vector<128xf32>
    %broadcast_in_dim3A = vector.shape_cast %get3A_21 : vector<128xf32> to vector<1x128xf32>
    %add3A_22 = vector.broadcast %broadcast_in_dim3A : vector<1x128xf32> to vector<2000x128xf32>
    %add3A_23 = arith.addf %dot_general3A_17, %add3A_22 : vector<2000x128xf32>
    %get3A_24 = arith.constant 0 : index
    %get3A_25 = arith.constant 0 : index
    %get3A_26 = arith.constant 0 : index
    %get3A_27 = vector.load %arg5[%get3A_24, %get3A_25, %get3A_26] : memref<3x128x384xf32, #tpu.memory_space<vmem>>, vector<1x128x384xf32>
    %get3A_28 = vector.shape_cast %get3A_27 : vector<1x128x384xf32> to vector<128x384xf32>
    %dot_general3A_29 = arith.constant dense<0.000000e+00> : vector<2000x384xf32>
    %dot_general3A_30 = tpu.matmul %add3A_23, %get3A_28, %dot_general3A_29 {dimension_numbers = #tpu.dot_dimension_numbers<[1], [0], [0], [1], [0, 0, 1, 1], [], []>, transpose_lhs_hint = false} : vector<2000x128xf32>, vector<128x384xf32>, vector<2000x384xf32> -> vector<2000x384xf32>
    %slice3A = vector.extract_strided_slice %dot_general3A_30 {offsets = [0, 0], sizes = [2000, 128], strides = [1, 1]} : vector<2000x384xf32> to vector<2000x128xf32>
    %swap3A = arith.constant 0 : index
    %swap3A_31 = arith.constant 0 : index
    %swap3A_32 = vector.load %arg6[%swap3A, %swap3A_31] : memref<2000x128xf32, #tpu.memory_space<vmem>>, vector<2000x128xf32>
    tpu.vector_store %arg6[%swap3A, %swap3A_31], %slice3A {strides = array<i32>} : memref<2000x128xf32, #tpu.memory_space<vmem>>, vector<2000x128xf32>,
    %slice3A_33 = vector.extract_strided_slice %dot_general3A_30 {offsets = [0, 128], sizes = [2000, 128], strides = [1, 1]} : vector<2000x384xf32> to vector<2000x128xf32>
    %swap3A_34 = arith.constant 0 : index
    %swap3A_35 = arith.constant 0 : index
    %swap3A_36 = vector.load %arg7[%swap3A_34, %swap3A_35] : memref<2000x128xf32, #tpu.memory_space<vmem>>, vector<2000x128xf32>
    tpu.vector_store %arg7[%swap3A_34, %swap3A_35], %slice3A_33 {strides = array<i32>} : memref<2000x128xf32, #tpu.memory_space<vmem>>, vector<2000x128xf32>,
    %slice3A_37 = vector.extract_strided_slice %dot_general3A_30 {offsets = [0, 256], sizes = [2000, 128], strides = [1, 1]} : vector<2000x384xf32> to vector<2000x128xf32>
    %swap3A_38 = arith.constant 0 : index
    %swap3A_39 = arith.constant 0 : index
    %swap3A_40 = vector.load %arg8[%swap3A_38, %swap3A_39] : memref<2000x128xf32, #tpu.memory_space<vmem>>, vector<2000x128xf32>
    tpu.vector_store %arg8[%swap3A_38, %swap3A_39], %slice3A_37 {strides = array<i32>} : memref<2000x128xf32, #tpu.memory_space<vmem>>, vector<2000x128xf32>,
    %get3A_41 = arith.constant 1 : index
    %get3A_42 = arith.constant 0 : index
    %get3A_43 = arith.constant 0 : index
    %get3A_44 = vector.load %arg3[%get3A_41, %get3A_42, %get3A_43] : memref<3x256x128xf32, #tpu.memory_space<vmem>>, vector<1x256x128xf32>
    %get3A_45 = vector.shape_cast %get3A_44 : vector<1x256x128xf32> to vector<256x128xf32>
    %dot_general3A_46 = arith.constant dense<0.000000e+00> : vector<2000x128xf32>
    %dot_general3A_47 = tpu.matmul %concatenate3A, %get3A_45, %dot_general3A_46 {dimension_numbers = #tpu.dot_dimension_numbers<[1], [0], [0], [1], [0, 0, 1, 1], [], []>, transpose_lhs_hint = false} : vector<2000x256xf32>, vector<256x128xf32>, vector<2000x128xf32> -> vector<2000x128xf32>
    %get3A_48 = arith.constant 1 : index
    %get3A_49 = arith.constant 0 : index
    %get3A_50 = vector.load %arg4[%get3A_48, %get3A_49] : memref<3x128xf32, #tpu.memory_space<vmem>>, vector<1x128xf32>
    %get3A_51 = vector.shape_cast %get3A_50 : vector<1x128xf32> to vector<128xf32>
    %broadcast_in_dim3A_52 = vector.shape_cast %get3A_51 : vector<128xf32> to vector<1x128xf32>
    %add3A_53 = vector.broadcast %broadcast_in_dim3A_52 : vector<1x128xf32> to vector<2000x128xf32>
    %add3A_54 = arith.addf %dot_general3A_47, %add3A_53 : vector<2000x128xf32>
    %get3A_55 = arith.constant 1 : index
    %get3A_56 = arith.constant 0 : index
    %get3A_57 = arith.constant 0 : index
    %get3A_58 = vector.load %arg5[%get3A_55, %get3A_56, %get3A_57] : memref<3x128x384xf32, #tpu.memory_space<vmem>>, vector<1x128x384xf32>
    %get3A_59 = vector.shape_cast %get3A_58 : vector<1x128x384xf32> to vector<128x384xf32>
    %dot_general3A_60 = arith.constant dense<0.000000e+00> : vector<2000x384xf32>
    %dot_general3A_61 = tpu.matmul %add3A_54, %get3A_59, %dot_general3A_60 {dimension_numbers = #tpu.dot_dimension_numbers<[1], [0], [0], [1], [0, 0, 1, 1], [], []>, transpose_lhs_hint = false} : vector<2000x128xf32>, vector<128x384xf32>, vector<2000x384xf32> -> vector<2000x384xf32>
    %slice3A_62 = vector.extract_strided_slice %dot_general3A_61 {offsets = [0, 0], sizes = [2000, 128], strides = [1, 1]} : vector<2000x384xf32> to vector<2000x128xf32>
    %swap3A_63 = arith.constant 0 : index
    %swap3A_64 = arith.constant 0 : index
    %swap3A_65 = vector.load %arg9[%swap3A_63, %swap3A_64] : memref<2000x128xf32, #tpu.memory_space<vmem>>, vector<2000x128xf32>
    tpu.vector_store %arg9[%swap3A_63, %swap3A_64], %slice3A_62 {strides = array<i32>} : memref<2000x128xf32, #tpu.memory_space<vmem>>, vector<2000x128xf32>,
    %slice3A_66 = vector.extract_strided_slice %dot_general3A_61 {offsets = [0, 128], sizes = [2000, 128], strides = [1, 1]} : vector<2000x384xf32> to vector<2000x128xf32>
    %swap3A_67 = arith.constant 0 : index
    %swap3A_68 = arith.constant 0 : index
    %swap3A_69 = vector.load %arg10[%swap3A_67, %swap3A_68] : memref<2000x128xf32, #tpu.memory_space<vmem>>, vector<2000x128xf32>
    tpu.vector_store %arg10[%swap3A_67, %swap3A_68], %slice3A_66 {strides = array<i32>} : memref<2000x128xf32, #tpu.memory_space<vmem>>, vector<2000x128xf32>,
    %slice3A_70 = vector.extract_strided_slice %dot_general3A_61 {offsets = [0, 256], sizes = [2000, 128], strides = [1, 1]} : vector<2000x384xf32> to vector<2000x128xf32>
    %swap3A_71 = arith.constant 0 : index
    %swap3A_72 = arith.constant 0 : index
    %swap3A_73 = vector.load %arg11[%swap3A_71, %swap3A_72] : memref<2000x128xf32, #tpu.memory_space<vmem>>, vector<2000x128xf32>
    tpu.vector_store %arg11[%swap3A_71, %swap3A_72], %slice3A_70 {strides = array<i32>} : memref<2000x128xf32, #tpu.memory_space<vmem>>, vector<2000x128xf32>,
    %get3A_74 = arith.constant 2 : index
    %get3A_75 = arith.constant 0 : index
    %get3A_76 = arith.constant 0 : index
    %get3A_77 = vector.load %arg3[%get3A_74, %get3A_75, %get3A_76] : memref<3x256x128xf32, #tpu.memory_space<vmem>>, vector<1x256x128xf32>
    %get3A_78 = vector.shape_cast %get3A_77 : vector<1x256x128xf32> to vector<256x128xf32>
    %dot_general3A_79 = arith.constant dense<0.000000e+00> : vector<2000x128xf32>
    %dot_general3A_80 = tpu.matmul %concatenate3A, %get3A_78, %dot_general3A_79 {dimension_numbers = #tpu.dot_dimension_numbers<[1], [0], [0], [1], [0, 0, 1, 1], [], []>, transpose_lhs_hint = false} : vector<2000x256xf32>, vector<256x128xf32>, vector<2000x128xf32> -> vector<2000x128xf32>
    %get3A_81 = arith.constant 2 : index
    %get3A_82 = arith.constant 0 : index
    %get3A_83 = vector.load %arg4[%get3A_81, %get3A_82] : memref<3x128xf32, #tpu.memory_space<vmem>>, vector<1x128xf32>
    %get3A_84 = vector.shape_cast %get3A_83 : vector<1x128xf32> to vector<128xf32>
    %broadcast_in_dim3A_85 = vector.shape_cast %get3A_84 : vector<128xf32> to vector<1x128xf32>
    %add3A_86 = vector.broadcast %broadcast_in_dim3A_85 : vector<1x128xf32> to vector<2000x128xf32>
    %add3A_87 = arith.addf %dot_general3A_80, %add3A_86 : vector<2000x128xf32>
    %get3A_88 = arith.constant 2 : index
    %get3A_89 = arith.constant 0 : index
    %get3A_90 = arith.constant 0 : index
    %get3A_91 = vector.load %arg5[%get3A_88, %get3A_89, %get3A_90] : memref<3x128x384xf32, #tpu.memory_space<vmem>>, vector<1x128x384xf32>
    %get3A_92 = vector.shape_cast %get3A_91 : vector<1x128x384xf32> to vector<128x384xf32>
    %dot_general3A_93 = arith.constant dense<0.000000e+00> : vector<2000x384xf32>
    %dot_general3A_94 = tpu.matmul %add3A_87, %get3A_92, %dot_general3A_93 {dimension_numbers = #tpu.dot_dimension_numbers<[1], [0], [0], [1], [0, 0, 1, 1], [], []>, transpose_lhs_hint = false} : vector<2000x128xf32>, vector<128x384xf32>, vector<2000x384xf32> -> vector<2000x384xf32>
    %slice3A_95 = vector.extract_strided_slice %dot_general3A_94 {offsets = [0, 0], sizes = [2000, 128], strides = [1, 1]} : vector<2000x384xf32> to vector<2000x128xf32>
    %swap3A_96 = arith.constant 0 : index
    %swap3A_97 = arith.constant 0 : index
    %swap3A_98 = vector.load %arg12[%swap3A_96, %swap3A_97] : memref<2000x128xf32, #tpu.memory_space<vmem>>, vector<2000x128xf32>
    tpu.vector_store %arg12[%swap3A_96, %swap3A_97], %slice3A_95 {strides = array<i32>} : memref<2000x128xf32, #tpu.memory_space<vmem>>, vector<2000x128xf32>,
    %slice3A_99 = vector.extract_strided_slice %dot_general3A_94 {offsets = [0, 128], sizes = [2000, 128], strides = [1, 1]} : vector<2000x384xf32> to vector<2000x128xf32>
    %swap3A_100 = arith.constant 0 : index
    %swap3A_101 = arith.constant 0 : index
    %swap3A_102 = vector.load %arg13[%swap3A_100, %swap3A_101] : memref<2000x128xf32, #tpu.memory_space<vmem>>, vector<2000x128xf32>
    tpu.vector_store %arg13[%swap3A_100, %swap3A_101], %slice3A_99 {strides = array<i32>} : memref<2000x128xf32, #tpu.memory_space<vmem>>, vector<2000x128xf32>,
    %slice3A_103 = vector.extract_strided_slice %dot_general3A_94 {offsets = [0, 256], sizes = [2000, 128], strides = [1, 1]} : vector<2000x384xf32> to vector<2000x128xf32>
    %swap3A_104 = arith.constant 0 : index
    %swap3A_105 = arith.constant 0 : index
    %swap3A_106 = vector.load %arg14[%swap3A_104, %swap3A_105] : memref<2000x128xf32, #tpu.memory_space<vmem>>, vector<2000x128xf32>
    tpu.vector_store %arg14[%swap3A_104, %swap3A_105], %slice3A_103 {strides = array<i32>} : memref<2000x128xf32, #tpu.memory_space<vmem>>, vector<2000x128xf32>,
    return
  }
  func.func @transform_0(%arg0: i32) -> (i32, i32) {
    %c0_i32 = arith.constant 0 : i32
    %c0_i32_0 = arith.constant 0 : i32
    return %arg0, %c0_i32 : i32, i32
  }
  func.func @transform_1(%arg0: i32) -> (i32, i32, i32) {
    %c0_i32 = arith.constant 0 : i32
    %c0_i32_0 = arith.constant 0 : i32
    %c0_i32_1 = arith.constant 0 : i32
    return %c0_i32, %arg0, %c0_i32_0 : i32, i32, i32
  }
  func.func @transform_2(%arg0: i32) -> (i32, i32, i32) {
    %c0_i32 = arith.constant 0 : i32
    %c0_i32_0 = arith.constant 0 : i32
    %c0_i32_1 = arith.constant 0 : i32
    %c0_i32_2 = arith.constant 0 : i32
    return %c0_i32, %c0_i32_0, %c0_i32_1 : i32, i32, i32
  }
  func.func @transform_3(%arg0: i32) -> (i32, i32) {
    %c0_i32 = arith.constant 0 : i32
    %c0_i32_0 = arith.constant 0 : i32
    %c0_i32_1 = arith.constant 0 : i32
    return %c0_i32, %c0_i32_0 : i32, i32
  }
  func.func @transform_4(%arg0: i32) -> (i32, i32, i32) {
    %c0_i32 = arith.constant 0 : i32
    %c0_i32_0 = arith.constant 0 : i32
    %c0_i32_1 = arith.constant 0 : i32
    %c0_i32_2 = arith.constant 0 : i32
    return %c0_i32, %c0_i32_0, %c0_i32_1 : i32, i32, i32
  }
  func.func @transform_5(%arg0: i32) -> (i32, i32) {
    %c0_i32 = arith.constant 0 : i32
    %c0_i32_0 = arith.constant 0 : i32
    return %arg0, %c0_i32 : i32, i32
  }
  func.func @transform_6(%arg0: i32) -> (i32, i32) {
    %c0_i32 = arith.constant 0 : i32
    %c0_i32_0 = arith.constant 0 : i32
    return %arg0, %c0_i32 : i32, i32
  }
  func.func @transform_7(%arg0: i32) -> (i32, i32) {
    %c0_i32 = arith.constant 0 : i32
    %c0_i32_0 = arith.constant 0 : i32
    return %arg0, %c0_i32 : i32, i32
  }
  func.func @transform_8(%arg0: i32) -> (i32, i32) {
    %c0_i32 = arith.constant 0 : i32
    %c0_i32_0 = arith.constant 0 : i32
    return %arg0, %c0_i32 : i32, i32
  }
  func.func @transform_9(%arg0: i32) -> (i32, i32) {
    %c0_i32 = arith.constant 0 : i32
    %c0_i32_0 = arith.constant 0 : i32
    return %arg0, %c0_i32 : i32, i32
  }
  func.func @transform_10(%arg0: i32) -> (i32, i32) {
    %c0_i32 = arith.constant 0 : i32
    %c0_i32_0 = arith.constant 0 : i32
    return %arg0, %c0_i32 : i32, i32
  }
  func.func @transform_11(%arg0: i32) -> (i32, i32) {
    %c0_i32 = arith.constant 0 : i32
    %c0_i32_0 = arith.constant 0 : i32
    return %arg0, %c0_i32 : i32, i32
  }
  func.func @transform_12(%arg0: i32) -> (i32, i32) {
    %c0_i32 = arith.constant 0 : i32
    %c0_i32_0 = arith.constant 0 : i32
    return %arg0, %c0_i32 : i32, i32
  }
  func.func @transform_13(%arg0: i32) -> (i32, i32) {
    %c0_i32 = arith.constant 0 : i32
    %c0_i32_0 = arith.constant 0 : i32
    return %arg0, %c0_i32 : i32, i32
  }
}

</mosaic_0001>

<sc_bundles>
// kernel: kernel.4.cloned.1.call-start
scs
__scs_entry_jumppad:
0x0: {  	(pc) =	sbr.rel $0x88, $3  }
0x1: {  	(tag) =	ssettag $0x0;
	lr =	simm.s32 $0x1  }
0x2: {  	[smem:$0x3F9B] =	sst lr;
	_ =	strace $0xD0000000  }
0x3: {  	_ = 	snop  }
0x4: {  	_ = 	snop  }
0x5: {  	_ = 	snop  }
0x6: {  	_ = 	snop  }
0x7: {  	_ = 	snop  }
__scs_overlays_trampoline_lowered:
0x8: {  	[smem:$0x3FAA] =	sst s0  }
0x9: {  	[smem:$0x3FAB] =	sst s1  }
0xa: {  	[smem:$0x3FAC] =	sst s2  }
0xb: {  	[smem:$0x3FAD] =	sst s3  }
0xc: {  	[smem:$0x3FAE] =	sst s4  }
0xd: {  	[smem:$0x3FAF] =	sst s5  }
0xe: {  	[smem:$0x3FB0] =	sst s6  }
0xf: {  	[smem:$0x3FB1] =	sst s7  }
0x10: {  	[smem:$0x3FB2] =	sst s8  }
0x11: {  	[smem:$0x3FB3] =	sst s9;
	s0 =	simm.s32 @!p0 $0x0  }
0x12: {  	s1 =	sld [smem:$0x3F99];
	s0 =	simm.s32 @p0 $0x1  }
0x13: {  	[smem:$0x3FB4] =	sst s0;
	s0 =	simm.s32 @!p1 $0x0  }
0x14: {  	s2 =	sld [smem:$0x3F98];
	s0 =	simm.s32 @p1 $0x1  }
0x15: {  	[smem:$0x3FB5] =	sst s0;
	s0 =	simm.s32 @!p2 $0x0  }
0x16: {  	s3 =	sld [smem:$0x3FDB];
	s0 =	simm.s32 @p2 $0x1  }
0x17: {  	s4 =	simm.s32 $0x1BF5;
	[smem:$0x3FB7] =	sst s0  }
0x18: {  	s0 =	sld [smem:$0x3F9A];
	_ =	swait.ge [sflag:s4], $0x0  }
0x19: {  	s7 =	sld [smem:$0x3F9B]  }
0x1a: {  	s8 =	sadd.s32 $0xFFFFE003, lr  }
0x1b: {  	s9 =	sadd.s32 $0xFFFFFEF7, lr;
	s5 =	simm.s32 $0xFFFFFFFF;
	p2 =	slt.u32 s8, $0xFFFFF086  }
0x1c: {  	p1 =	slt.u32 s9, $0xF7A;
	s5 =	simm.s32 @!p2 $0x0  }
0x1d: {  	s5 =	simm.s32 @p1 $0x1;
	p0 =	seq.s32 s7, s2  }
0x1e: {  	s7 =	smul.u32 @!p0 $0xF7A, s2;
	p2 =	seq.s32 @!p0 s5, $0x0  }
0x1f: {  	s9 =	smul.u32 $0xF7A, s1;
	s8 =	simm.s32 @!p0 $0x1BF5;
	p2 =	por !p2, p0  }
0x20: {  	[sflag:s8] =	ssyncset.s32 @!p0 $0xFFFFF086;
	s6 =	sadd.s32 @!p0 s3, s7;
	s7 =	simm.s32 @!p0 $0x108  }
0x21: {  	s3 =	sadd.s32 s3, s9;
	s6 =	sadd.s32 @!p0 $0x88, s6;
	s7 =	simm.s32 @p2 $0x1082  }
0x22: {  	[simem:s7], [sflag:s8] =	dma.local @!p0 [hbm:s6], $0xF7A  }
0x23: {  	s9 =	sor.u32 $0xD0000000, s2;
	s6 =	simm.s32 $0x108;
	_ =	swait.ge @!p0 [sflag:s8], $0x0  }
0x24: {  	s3 =	sadd.s32 $0x88, s3;
	s6 =	simm.s32 @!p1 $0x1082;
	[sflag:s4] =	ssyncset.s32 $0xFFFFF086  }
0x25: {  	[simem:s6], [sflag:s4] =	dma.local [hbm:s3], $0xF7A  }
0x26: {  	[smem:$0x3F9B] =	sst s1;
	(tag) =	ssettag s2;
	_ =	strace s9  }
0x27: {  	s1 =	sld [smem:$0x3FAB]  }
0x28: {  	s2 =	sld [smem:$0x3FAC]  }
0x29: {  	s4 =	sld [smem:$0x3FAE]  }
0x2a: {  	p0 =	seq.s32 s5, $0x0;
	s5 =	sld [smem:$0x3FAF]  }
0x2b: {  	s6 =	sld [smem:$0x3FB0]  }
0x2c: {  	s7 =	sld [smem:$0x3FB1]  }
0x2d: {  	s3 =	simm.s32 $0x108;
	s8 =	sld [smem:$0x3FB2]  }
0x2e: {  	s3 =	simm.s32 @!p0 $0x1082;
	s9 =	sld [smem:$0x3FB3]  }
0x2f: {  	lr =	sadd.s32 s0, s3;
	s0 =	sld [smem:$0x3FAA]  }
0x30: {  	s3 =	sld [smem:$0x3FAD]  }
0x31: {  	[smem:$0x3FB6] =	sst s10  }
0x32: {  	s10 =	sld [smem:$0x3FB4];
	_ =	sdelay $0x3  }
0x33: {  	p0 =	seq.s32 s10, $0x1;
	s10 =	sld [smem:$0x3FB6];
	_ =	sdelay $0x3  }
0x34: {  	[smem:$0x3FB6] =	sst s10  }
0x35: {  	s10 =	sld [smem:$0x3FB5];
	_ =	sdelay $0x3  }
0x36: {  	p1 =	seq.s32 s10, $0x1;
	s10 =	sld [smem:$0x3FB6];
	_ =	sdelay $0x3  }
0x37: {  	[smem:$0x3FB6] =	sst s10  }
0x38: {  	s10 =	sld [smem:$0x3FB7]  }
0x39: {  	_ = 	snop;
	(pc) =	sbr.ind lr, $3  }
0x3a: {  	_ = 	snop  }
0x3b: {  	_ = 	snop  }
0x3c: {  	p2 =	seq.s32 s10, $0x1;
	s10 =	sld [smem:$0x3FB6]  }
0x3d: {  	_ =	shalt  }
0x3e: {  	_ =	shalt  }
0x3f: {  	_ =	shalt  }
0x40: {  	_ =	shalt  }
0x41: {  	_ =	shalt  }
0x42: {  	_ =	shalt  }
0x43: {  	_ =	shalt  }
0x44: {  	_ =	shalt  }
0x45: {  	_ =	shalt  }
0x46: {  	_ =	shalt  }
0x47: {  	_ =	shalt  }
0x48: {  	_ =	shalt  }
0x49: {  	_ =	shalt  }
0x4a: {  	_ =	shalt  }
0x4b: {  	_ =	shalt  }
0x4c: {  	_ =	shalt  }
0x4d: {  	_ =	shalt  }
0x4e: {  	_ =	shalt  }
0x4f: {  	_ =	shalt  }
0x50: {  	_ =	shalt  }
0x51: {  	_ =	shalt  }
0x52: {  	_ =	shalt  }
0x53: {  	_ =	shalt  }
0x54: {  	_ =	shalt  }
0x55: {  	_ =	shalt  }
0x56: {  	_ =	shalt  }
0x57: {  	_ =	shalt  }
0x58: {  	_ =	shalt  }
0x59: {  	_ =	shalt  }
0x5a: {  	_ =	shalt  }
0x5b: {  	_ =	shalt  }
0x5c: {  	_ =	shalt  }
0x5d: {  	_ =	shalt  }
0x5e: {  	_ =	shalt  }
0x5f: {  	_ =	shalt  }
0x60: {  	_ =	shalt  }
0x61: {  	_ =	shalt  }
0x62: {  	_ =	shalt  }
0x63: {  	_ =	shalt  }
0x64: {  	_ =	shalt  }
0x65: {  	_ =	shalt  }
0x66: {  	_ =	shalt  }
0x67: {  	_ =	shalt  }
0x68: {  	_ =	shalt  }
0x69: {  	_ =	shalt  }
0x6a: {  	_ =	shalt  }
0x6b: {  	_ =	shalt  }
0x6c: {  	_ =	shalt  }
0x6d: {  	_ =	shalt  }
0x6e: {  	_ =	shalt  }
0x6f: {  	_ =	shalt  }
0x70: {  	_ =	shalt  }
0x71: {  	_ =	shalt  }
0x72: {  	_ =	shalt  }
0x73: {  	_ =	shalt  }
0x74: {  	_ =	shalt  }
0x75: {  	_ =	shalt  }
0x76: {  	_ =	shalt  }
0x77: {  	_ =	shalt  }
0x78: {  	_ =	shalt  }
0x79: {  	_ =	shalt  }
0x7a: {  	_ =	shalt  }
0x7b: {  	_ =	shalt  }
0x7c: {  	_ =	shalt  }
0x7d: {  	_ =	shalt  }
0x7e: {  	_ =	shalt  }
0x7f: {  	_ =	shalt  }
0x80: {  	_ =	shalt  }
0x81: {  	_ =	shalt  }
0x82: {  	_ =	shalt  }
0x83: {  	_ =	shalt  }
0x84: {  	_ =	shalt  }
0x85: {  	_ =	shalt  }
0x86: {  	_ =	shalt  }
0x87: {  	_ =	shalt  }
.Lfunc_end0:
.L_simem_size_0:
called_computation_lowered:
.L_overlay_start_0:
0x88: {  	s2 =	sld [smem:$0x3FD9]  }
0x89: {  	s3 =	sld [smem:$0x3FFE];
	_ =	sdelay $0x1  }
0x8a: {  	s1 =	srdreg.scid  }
0x8b: {  	s0 =	sand.u32 $0x1, s1  }
0x8c: {  	s14 =	sshll.u32 s0, $0xA;
	s2 =	sadd.s32 s3, s2  }
0x8d: {  	s2 =	sadd.s32 s2, s14  }
0x8e: {  	[smem:$0x3FC2] =	sst s2  }
0x8f: {  	_ = 	snop  }
0x90: {  	s2 =	sld [smem:$0x3FD0];
	_ =	sdelay $0x2  }
0x91: {  	s4 =	simm.s32 $0xA;
	s5 =	simm.s32 $0x10;
	s15 =	sld [smem:$0x3FC9]  }
0x92: {  	[smem:s5], [sflag:s4] =	dma.local [hbm:s2], $0x1  }
0x93: {  	_ =	swait.eq [sflag:s4], $0x1  }
0x94: {  	[sflag:s4] =	ssyncset.done $0x0  }
0x95: {  	[sflag:s4] =	ssyncadd.s32 $0xFFFFFFFF  }
0x96: {  	s2 =	sadd.s32 $0x1, s2;
	s6 =	sld [smem:$0x17]  }
0x97: {  	[smem:s5], [sflag:s4] =	dma.local [hbm:s2], $0x1  }
0x98: {  	_ =	swait.eq [sflag:s4], $0x1  }
0x99: {  	[sflag:s4] =	ssyncset.done $0x0  }
0x9a: {  	[sflag:s4] =	ssyncadd.s32 $0xFFFFFFFF  }
0x9b: {  	s16 =	sld [smem:$0x10];
	(tm) =	ssettm $0x1  }
0x9c: {  	s17 =	sld [smem:$0x3FFB];
	_ =	sdelay $0x3  }
0x9d: {  	_ =	strace s17  }
0x9e: {  	s4 =	sld [smem:$0x3FFC];
	_ =	sdelay $0x3  }
0x9f: {  	_ =	strace s4  }
0xa0: {  	s4 =	sld [smem:$0x3FFD];
	_ =	sdelay $0x3  }
0xa1: {  	_ =	strace s4  }
0xa2: {  	_ =	strace $0x8FFFFFFF  }
0xa3: {  	s18 =	sld [smem:$0x3FDB];
	_ =	sdelay $0x1  }
0xa4: {  	s19 =	simm.s32 $_scs_section_size  }
0xa5: {  	s7 =	simm.s32 $_size__tile_overlayer_lowered;
	s8 =	simm.s32 $_tile_overlayer_lowered  }
0xa6: {  	s22 =	simm.s32 $0x1BFF;
	s21 =	sshll.u32 s8, $0x1;
	s4 =	sadd.s32 s19, s18  }
0xa7: {  	s9 =	simm.s32 $0x0;
	s20 =	sshll.u32 s7, $0x1;
	s7 =	sadd.s32 s21, s4  }
0xa8: {  	[timem:s9], [sflag:s22] =	dma.local [hbm:s7], s20  }
0xa9: {  	_ =	swait.ge [sflag:s22], s20  }
0xaa: {  	s5 =	ssub.s32 $0x0, s20;
	[sflag:s22] =	ssyncset.done $0x0  }
0xab: {  	[sflag:s22] =	ssyncadd.s32 s5;
	_ =	sdelay $0x1  }
0xac: {  	s23 =	simm.s32 $0x1B8B  }
0xad: {  	_ =	swait.ge [sflag:s23], $0x1  }
0xae: {  	[sflag:s23] =	ssyncset.done $0x0  }
0xaf: {  	s25 =	simm.s32 $0x1B8E;
	s24 =	sld [smem:$0x3FFE];
	[sflag:s23] =	ssyncadd.s32 $0xFFFFFFFF  }
0xb0: {  	s26 =	simm.s32 $execute0_lowered;
	[smem:$0x3FD2] =	sst s25  }
0xb1: {  	s7 =	sshll.u32 s26, $0x1;
	_ =	strace $0x80000046;
	[dreg:$0x1] =	wrdreg $0xFFFFFFFF  }
0xb2: {  	s28 =	simm.s32 $_size_execute0_lowered;
	s4 =	sadd.s32 s4, s7;
	[dreg:$0x0] =	wrdreg $0x0  }
0xb3: {  	s7 =	sshll.u32 s28, $0x1;
	[dreg:$0x2] =	wrdreg s4  }
0xb4: {  	[dreg:$0x3] =	wrdreg s7  }
0xb5: {  	[dreg:$0x4] =	wrdreg $0xC0  }
0xb6: {  	_ =	task [dreg:s9], $0x5FFFF  }
0xb7: {  	[dreg:$0x1] =	wrdreg $0xFFFFFFFF  }
0xb8: {  	[dreg:$0x0] =	wrdreg $0x60  }
0xb9: {  	[dreg:$0x2] =	wrdreg s15  }
0xba: {  	[dreg:$0x3] =	wrdreg s16  }
0xbb: {  	[dreg:$0x4] =	wrdreg s6  }
0xbc: {  	[dreg:$0x5] =	wrdreg s24  }
0xbd: {  	[dreg:$0x6] =	wrdreg $0x82000  }
0xbe: {  	[dreg:$0x7] =	wrdreg $0x9  }
0xbf: {  	_ =	task.clear_ibuf [dreg:s9], $0x8FFFF;
	_ =	strace $0x90000046  }
0xc0: {  	s29 =	simm.s32 $0x9;
	_ =	strace $0x80000048  }
0xc1: {  	_ =	swait.ge [sflag:s29], $0x1  }
0xc2: {  	[sflag:s29] =	ssyncadd.s32 $0xFFFFFFFF  }
0xc3: {  	_ =	strace $0x90000048  }
0xc4: {  	_ =	sfence  }
0xc5: {  	s30 =	sld [smem:$0x0];
	_ =	sdelay $0x2  }
0xc6: {  	s31 =	sshll.u32 s1, $0xD;
	s1 =	sshrl.u32 s1, $0x2  }
0xc7: {  	s3 =	sand.u32 $0x4000, s31;
	s1 =	sadd.s32 s1, s30  }
0xc8: {  	s0 =	sor.u32 s3, s0;
	s1 =	sshll.u32 s1, $0x11  }
0xc9: {  	s0 =	sor.u32 s1, s0  }
0xca: {  	s0 =	sadd.s32 $0x8F2B, s0  }
0xcb: {  	[sflag:s0] =	ssyncadd.remote.s32 $0x1  }
0xcc: {  	_ =	sfence.sel $0xFFFF  }
0xcd: {  	[dreg:$0x0] =	wrdreg $0xFFFFFFFF;
	(pc) =	sbr.abs _section_cstart, $3  }
0xce: {  	[dreg:$0x1] =	wrdreg $0xFFFFFFFF  }
0xcf: {  	_ =	task.clear_ibuf [dreg:s9], $0x2FFFF;
	_ =	strace $0x9FFFFFFF  }
0xd0: {  	(tm) =	ssettm $0x7FFFFFFF  }
0xd1: {  	_ =	shalt  }
tec
execute0_lowered:
.L_overlay_start_1:
0x0: {  	(tag) =	ssettag $0x1  }
0x1: {  	s1 =	rddreg [dreg:$0x0]  }
0x2: {  	s0 =	rddreg [dreg:$0x1]  }
0x3: {  	s3 =	rddreg [dreg:$0x2]  }
0x4: {  	s5 =	rddreg [dreg:$0x3]  }
0x5: {  	s2 =	rddreg [dreg:$0x4];
	s4 =	srdreg.scid  }
0x6: {  	s12 =	stileid.u32;
	s28 =	simm.s32 $0x5;
	s29 =	simm.s32 $0x6  }
0x7: {  	s30 =	simm.s32 $0x180;
	s31 =	simm.s32 $0x4200;
	s8 =	smul.u32 $0x14000, s12  }
0x8: {  	s6 =	sand.u32 $0x1, s4;
	s4 =	simm.s32 $0x0;
	s9 =	smul.u32 $0x50000, s12  }
0x9: {  	s14 =	sshll.u32 s12, $0x1;
	s7 =	smul.u32 $0x140000, s6;
	[smem:$0x7FF] =	sst s4  }
0xa: {  	s12 =	smul.u32 $0x5000, s12;
	s10 =	ssub.s32 $0x2, s6;
	_ =	strace $0x80000047  }
0xb: {  	s11 =	sshrl.u32 s10, $0x1;
	s9 =	sshrl.u32 s9, $0x2;
	s7 =	sadd.s32 s8, s7  }
0xc: {  	s8 =	sor.u32 s6, s14;
	s10 =	ssub.s32 s10, s11;
	s6 =	smul.u32 $0x2800, s6  }
0xd: {  	s7 =	sshrl.u32 s7, $0x3;
	s8 =	smul.u32 $0x2800, s8;
	s14 =	smax.u32 s10, $0x1  }
0xe: {  	s7 =	sadd.s32 s7, s5;
	s5 =	sadd.s32 s9, s2;
	s6 =	sadd.s32 s6, s12  }
0xf: {  	s9 =	sadd.s32 $0x4000, s5;
	s15 =	sadd.s32 $0x8000, s5;
	s16 =	sshrl.u32 s8, $0x3  }
0x10: {  	s17 =	sadd.s32 $0xC000, s5;
	s18 =	sadd.s32 $0x10000, s5;
	s20 =	sor.u32 $0x80, s8  }
0x11: {  	s21 =	sor.u32 $0x100, s8;
	s8 =	sor.u32 $0x180, s8;
	[dreg:$0x6] =	wrdreg s9  }
0x12: {  	s13 =	sadd.s32 $0x1000, s7;
	s24 =	sor.u32 $0x280, s6;
	[dreg:$0x7] =	wrdreg s15  }
0x13: {  	s25 =	sor.u32 $0x200, s6;
	s6 =	sor.u32 $0x180, s6;
	[dreg:$0x8] =	wrdreg s17  }
0x14: {  	[dreg:$0x9] =	wrdreg s18;
	s19 =	sadd.s32 s0, s16;
	s9 =	sadd.s32 s3, s16  }
0x15: {  	s22 =	sshrl.u32 s20, $0x3;
	s23 =	sshrl.u32 s21, $0x3;
	s8 =	sshrl.u32 s8, $0x3  }
0x16: {  	s7 =	sshrl.u32 s24, $0x3;
	s26 =	sshrl.u32 s25, $0x3;
	s6 =	sshrl.u32 s6, $0x3  }
0x17: {  	s24 =	simm.s32 $0x9;
	s25 =	simm.s32 $0x80;
	[dreg:$0xa] =	wrdreg s19  }
0x18: {  	s11 =	sadd.s32 $0x10, s19;
	[dreg:$0xc] =	wrdreg s9;
	s15 =	sadd.s32 s3, s22  }
0x19: {  	s16 =	sadd.s32 s0, s23;
	s17 =	sadd.s32 s3, s23;
	s18 =	sadd.s32 s0, s8  }
.Ltmp0:
0x1a: {  	s19 =	sadd.s32 s7, s0;
	s20 =	sadd.s32 s26, s3;
	(pc) =	sbr.rel .LBB2_1-.Ltmp0, $4  }
0x1b: {  	s21 =	sadd.s32 s26, s0;
	s22 =	sadd.s32 s6, s3;
	s23 =	simm.s32 $0x200  }
0x1c: {  	s26 =	simm.s32 $0x100;
	s0 =	simm.s32 $0x3;
	s3 =	simm.s32 $0x1  }
0x1d: {  	s6 =	simm.s32 $0x7;
	s7 =	simm.s32 $0x4;
	s8 =	simm.s32 $0x2  }
0x1e: {  	v0 =	vimm.f32 $0.0e+00;
	s9 =	simm.s32 $0x8;
	[dreg:$0xb] =	wrdreg s11;
	s11 =	simm.s32 $0x0  }
.LBB2_6:
0x1f: {  	_ =	swait.ge [sflag:s7], $0x80  }
0x20: {  	[sflag:s7] =	ssyncset.done $0x0  }
0x21: {  	[sflag:s7] =	ssyncadd.s32 $0xFFFFFF80  }
0x22: {  	_ =	swait.ge [sflag:s8], $0x4000  }
0x23: {  	[sflag:s8] =	ssyncset.done $0x0  }
0x24: {  	[sflag:s8] =	ssyncadd.s32 $0xFFFFC000  }
0x25: {  	[spmem:s2] =	stream.indirect.scatter.add.f32 [tilespmem:s31], [sflag:$0x8], $0x80, s30, s25, $0xb8;
	[tilespmem:$0x1C200] =	vst v63  }
0x26: {  	_ =	swait.ge [sflag:s6], $0x4000  }
0x27: {  	[sflag:s6] =	ssyncset.done $0x0  }
0x28: {  	[sflag:s6] =	ssyncadd.s32 $0xFFFFC000  }
0x29: {  	s10 =	stileid.u32;
	_ =	swait.ge [sflag:s9], $0x4000  }
0x2a: {  	s12 =	sshrl.u32 s5, $0x3;
	s11 =	sadd.s32 $0x1, s11;
	[sflag:s9] =	ssyncset.done $0x0  }
0x2b: {  	s10 =	sshll.u32 s10, $0x6;
	p0 =	sne.s32 s11, s14;
	[sflag:s9] =	ssyncadd.s32 $0xFFFFC000  }
.Ltmp1:
0x2c: {  	s10 =	sor.u32 $0x1C09, s10;
	[bflag:$0x0] =	sbarrier.arrive $0xFFFF;
	(pc) =	sbr.rel @!p0 .LBB2_7-.Ltmp1, $4  }
0x2d: {  	[hbm:s13], [sflag:s10] =	dma.local [spmem:s12], $0x2800  }
0x2e: {  	_ =	swait.ge [sflag:s24], $0x2800  }
0x2f: {  	[sflag:s24] =	ssyncset.done $0x0  }
0x30: {  	[sflag:s24] =	ssyncadd.s32 $0xFFFFD800  }
.LBB2_1:
0x31: {  	s12 =	simm.s32 $0x0;
	s10 =	simm.s32 $0x200  }
.LBB2_2:
0x32: {  	p0 =	sne.s32 s10, $0xFE00;
	[tilespmem:s12+$0x270] =	vst v0  }
0x33: {  	[tilespmem:s12+$0x200] =	vst v0  }
0x34: {  	[tilespmem:s12+$0x210] =	vst v0  }
.Ltmp2:
0x35: {  	[tilespmem:s12+$0x220] =	vst v0;
	(pc) =	sbr.rel @p0 .LBB2_2-.Ltmp2, $4  }
0x36: {  	[tilespmem:s12+$0x230] =	vst v0  }
0x37: {  	[tilespmem:s12+$0x240] =	vst v0  }
0x38: {  	[tilespmem:s12+$0x250] =	vst v0  }
0x39: {  	[tilespmem:s12+$0x260] =	vst v0;
	s12 =	sshra.s32 s10, $0x2;
	s10 =	sadd.s32 $0x200, s10  }
0x3a: {  	[tilespmem:s12+$0x270] =	vst v0  }
0x3b: {  	[tilespmem:s12+$0x200] =	vst v0  }
0x3c: {  	[tilespmem:s12+$0x210] =	vst v0  }
0x3d: {  	[tilespmem:s12+$0x220] =	vst v0  }
0x3e: {  	[tilespmem:s12+$0x230] =	vst v0  }
0x3f: {  	[tilespmem:s12+$0x240] =	vst v0  }
0x40: {  	[tilespmem:s12+$0x250] =	vst v0  }
0x41: {  	[tilespmem:s12+$0x260] =	vst v0  }
0x42: {  	[spmem:s5] =	stream.linear.scatter [tilespmem:s23], [sflag:$0x9], $0x4000, $0x38;
	[tilespmem:$0x1C200] =	vst v63  }
0x43: {  	_ =	swait.ge [sflag:s24], $0x4000  }
0x44: {  	[sflag:s24] =	ssyncset.done $0x0  }
0x45: {  	s10 =	rddreg [dreg:$0x6];
	[sflag:s24] =	ssyncadd.s32 $0xFFFFC000  }
0x46: {  	[spmem:s10] =	stream.linear.scatter [tilespmem:s23], [sflag:$0x9], $0x4000, $0x38;
	[tilespmem:$0x1C200] =	vst v63  }
0x47: {  	_ =	swait.ge [sflag:s24], $0x4000  }
0x48: {  	[sflag:s24] =	ssyncset.done $0x0  }
0x49: {  	s12 =	rddreg [dreg:$0x7];
	[sflag:s24] =	ssyncadd.s32 $0xFFFFC000  }
0x4a: {  	[spmem:s12] =	stream.linear.scatter [tilespmem:s23], [sflag:$0x9], $0x4000, $0x38;
	[tilespmem:$0x1C200] =	vst v63  }
0x4b: {  	_ =	swait.ge [sflag:s24], $0x4000  }
0x4c: {  	[sflag:s24] =	ssyncset.done $0x0  }
0x4d: {  	s12 =	rddreg [dreg:$0x8];
	[sflag:s24] =	ssyncadd.s32 $0xFFFFC000  }
0x4e: {  	[spmem:s12] =	stream.linear.scatter [tilespmem:s23], [sflag:$0x9], $0x4000, $0x38;
	[tilespmem:$0x1C200] =	vst v63  }
0x4f: {  	_ =	swait.ge [sflag:s24], $0x4000  }
0x50: {  	[sflag:s24] =	ssyncset.done $0x0  }
0x51: {  	s12 =	rddreg [dreg:$0x9];
	[sflag:s24] =	ssyncadd.s32 $0xFFFFC000  }
0x52: {  	[spmem:s12] =	stream.linear.scatter [tilespmem:s23], [sflag:$0x9], $0x4000, $0x38;
	[tilespmem:$0x1C200] =	vst v63  }
0x53: {  	_ =	swait.ge [sflag:s24], $0x4000  }
0x54: {  	[sflag:s24] =	ssyncset.done $0x0  }
0x55: {  	[sflag:s24] =	ssyncadd.s32 $0xFFFFC000  }
0x56: {  	[bflag:$0x0] =	sbarrier.arrive $0xFFFF  }
0x57: {  	s12 =	simm.s32 $0x0;
	s10 =	rddreg [dreg:$0xa]  }
0x58: {  	[tilespmem:s12], [sflag:$0x5] =	stream.linear.gather [hbm4b:s10+s12], $0x80, $0x38;
	[tilespmem:$0x1C200] =	vst v63  }
0x59: {  	s10 =	rddreg [dreg:$0xb]  }
0x5a: {  	[tilespmem:s25], [sflag:$0x6] =	stream.linear.gather [hbm4b:s10+s12], $0x80, $0x38;
	[tilespmem:$0x1C200] =	vst v63  }
0x5b: {  	s10 =	rddreg [dreg:$0xc]  }
0x5c: {  	[tilespmem:s26], [sflag:$0x3] =	stream.linear.gather [hbm4b:s10+s12], $0x80, $0x38;
	[tilespmem:$0x1C200] =	vst v63  }
0x5d: {  	_ =	swait.ge [sflag:s28], $0x80  }
0x5e: {  	[sflag:s28] =	ssyncset.done $0x0  }
0x5f: {  	[sflag:s28] =	ssyncadd.s32 $0xFFFFFF80  }
0x60: {  	[tilespmem:s23], [sflag:$0x1] =	stream.indirect.gather [hbm4b:s1+s25], $0x80, s12, s25, $0xb8;
	[tilespmem:$0x1C200] =	vst v63  }
0x61: {  	_ =	swait.ge [sflag:s29], $0x80  }
0x62: {  	[sflag:s29] =	ssyncset.done $0x0  }
0x63: {  	[sflag:s29] =	ssyncadd.s32 $0xFFFFFF80  }
0x64: {  	[tilespmem:s30], [sflag:$0x4] =	stream.linear.gather [hbm4b:s15+s12], $0x80, $0x38;
	[tilespmem:$0x1C200] =	vst v63  }
0x65: {  	_ = 	snop  }
0x66: {  	[tilespmem:s31], [sflag:$0x2] =	stream.indirect.gather [hbm4b:s1+s25], $0x80, s25, s25, $0xb8;
	[tilespmem:$0x1C200] =	vst v63  }
0x67: {  	_ =	swait.ge [sflag:s0], $0x80  }
0x68: {  	[sflag:s0] =	ssyncset.done $0x0  }
0x69: {  	[sflag:s0] =	ssyncadd.s32 $0xFFFFFF80  }
0x6a: {  	_ =	swait.ge [sflag:s3], $0x4000  }
0x6b: {  	[sflag:s3] =	ssyncset.done $0x0  }
0x6c: {  	[sflag:s3] =	ssyncadd.s32 $0xFFFFC000  }
0x6d: {  	[spmem:s2] =	stream.indirect.scatter.add.f32 [tilespmem:s23], [sflag:$0x7], $0x80, s26, s25, $0xb8;
	[tilespmem:$0x1C200] =	vst v63  }
0x6e: {  	_ = 	snop  }
0x6f: {  	[tilespmem:s12], [sflag:$0x5] =	stream.linear.gather [hbm4b:s16+s12], $0x80, $0x38;
	[tilespmem:$0x1C200] =	vst v63  }
0x70: {  	_ =	swait.ge [sflag:s28], $0x80  }
0x71: {  	[sflag:s28] =	ssyncset.done $0x0  }
0x72: {  	[sflag:s28] =	ssyncadd.s32 $0xFFFFFF80  }
0x73: {  	_ =	swait.ge [sflag:s6], $0x4000  }
0x74: {  	[sflag:s6] =	ssyncset.done $0x0  }
0x75: {  	[sflag:s6] =	ssyncadd.s32 $0xFFFFC000  }
0x76: {  	[tilespmem:s26], [sflag:$0x3] =	stream.linear.gather [hbm4b:s17+s12], $0x80, $0x38;
	[tilespmem:$0x1C200] =	vst v63  }
0x77: {  	_ = 	snop  }
0x78: {  	[tilespmem:s23], [sflag:$0x1] =	stream.indirect.gather [hbm4b:s1+s25], $0x80, s12, s25, $0xb8;
	[tilespmem:$0x1C200] =	vst v63  }
0x79: {  	_ =	swait.ge [sflag:s7], $0x80  }
0x7a: {  	[sflag:s7] =	ssyncset.done $0x0  }
0x7b: {  	[sflag:s7] =	ssyncadd.s32 $0xFFFFFF80  }
0x7c: {  	_ =	swait.ge [sflag:s8], $0x4000  }
0x7d: {  	[sflag:s8] =	ssyncset.done $0x0  }
0x7e: {  	[sflag:s8] =	ssyncadd.s32 $0xFFFFC000  }
0x7f: {  	[spmem:s2] =	stream.indirect.scatter.add.f32 [tilespmem:s31], [sflag:$0x8], $0x80, s30, s25, $0xb8;
	[tilespmem:$0x1C200] =	vst v63  }
0x80: {  	_ = 	snop  }
0x81: {  	[tilespmem:s25], [sflag:$0x6] =	stream.linear.gather [hbm4b:s18+s12], $0x80, $0x38;
	[tilespmem:$0x1C200] =	vst v63  }
.LBB2_4:
0x82: {  	_ =	swait.ge [sflag:s29], $0x80  }
0x83: {  	[sflag:s29] =	ssyncset.done $0x0  }
0x84: {  	[sflag:s29] =	ssyncadd.s32 $0xFFFFFF80  }
0x85: {  	_ =	swait.ge [sflag:s9], $0x4000  }
0x86: {  	[sflag:s9] =	ssyncset.done $0x0  }
0x87: {  	s10 =	sadd.s32 s12, s22;
	[sflag:s9] =	ssyncadd.s32 $0xFFFFC000  }
0x88: {  	[tilespmem:s30], [sflag:$0x4] =	stream.linear.gather [hbm4b:s10+s4], $0x80, $0x38;
	[tilespmem:$0x1C200] =	vst v63  }
0x89: {  	_ = 	snop  }
0x8a: {  	[tilespmem:s31], [sflag:$0x2] =	stream.indirect.gather [hbm4b:s1+s25], $0x80, s25, s25, $0xb8;
	[tilespmem:$0x1C200] =	vst v63  }
0x8b: {  	_ =	swait.ge [sflag:s0], $0x80  }
0x8c: {  	p0 =	seq.s32 s12, $0x4C0;
	[sflag:s0] =	ssyncset.done $0x0  }
.Ltmp3:
0x8d: {  	[sflag:s0] =	ssyncadd.s32 $0xFFFFFF80;
	(pc) =	sbr.rel @p0 .LBB2_6-.Ltmp3, $4  }
0x8e: {  	_ =	swait.ge [sflag:s3], $0x4000  }
0x8f: {  	[sflag:s3] =	ssyncset.done $0x0  }
0x90: {  	[sflag:s3] =	ssyncadd.s32 $0xFFFFC000  }
0x91: {  	[spmem:s2] =	stream.indirect.scatter.add.f32 [tilespmem:s23], [sflag:$0x7], $0x80, s26, s25, $0xb8;
	[tilespmem:$0x1C200] =	vst v63  }
0x92: {  	s10 =	sadd.s32 s12, s21  }
0x93: {  	[tilespmem:s4], [sflag:$0x5] =	stream.linear.gather [hbm4b:s10+s4], $0x80, $0x38;
	[tilespmem:$0x1C200] =	vst v63  }
0x94: {  	_ =	swait.ge [sflag:s28], $0x80  }
0x95: {  	[sflag:s28] =	ssyncset.done $0x0  }
0x96: {  	[sflag:s28] =	ssyncadd.s32 $0xFFFFFF80  }
0x97: {  	_ =	swait.ge [sflag:s6], $0x4000  }
0x98: {  	[sflag:s6] =	ssyncset.done $0x0  }
0x99: {  	s10 =	sadd.s32 s12, s20;
	[sflag:s6] =	ssyncadd.s32 $0xFFFFC000  }
0x9a: {  	[tilespmem:s26], [sflag:$0x3] =	stream.linear.gather [hbm4b:s10+s4], $0x80, $0x38;
	[tilespmem:$0x1C200] =	vst v63  }
0x9b: {  	_ = 	snop  }
0x9c: {  	[tilespmem:s23], [sflag:$0x1] =	stream.indirect.gather [hbm4b:s1+s25], $0x80, s4, s25, $0xb8;
	[tilespmem:$0x1C200] =	vst v63  }
0x9d: {  	_ =	swait.ge [sflag:s7], $0x80  }
0x9e: {  	[sflag:s7] =	ssyncset.done $0x0  }
0x9f: {  	[sflag:s7] =	ssyncadd.s32 $0xFFFFFF80  }
0xa0: {  	_ =	swait.ge [sflag:s8], $0x4000  }
.Ltmp4:
0xa1: {  	[sflag:s8] =	ssyncset.done $0x0;
	(pc) =	sbr.rel .LBB2_4-.Ltmp4, $4  }
0xa2: {  	[sflag:s8] =	ssyncadd.s32 $0xFFFFC000  }
0xa3: {  	[spmem:s2] =	stream.indirect.scatter.add.f32 [tilespmem:s31], [sflag:$0x8], $0x80, s30, s25, $0xb8;
	[tilespmem:$0x1C200] =	vst v63  }
0xa4: {  	s10 =	sadd.s32 s12, s19;
	s12 =	sadd.s32 $0x20, s12  }
0xa5: {  	[tilespmem:s25], [sflag:$0x6] =	stream.linear.gather [hbm4b:s10+s4], $0x80, $0x38;
	[tilespmem:$0x1C200] =	vst v63  }
.LBB2_7:
0xa6: {  	_ =	sfence.sel $0x180000  }
0xa7: {  	[bflag:$0x0] =	sbarrier.arrive $0xFFFF  }
0xa8: {  	_ =	strace $0x90000047  }
0xa9: {  	s0 =	stileid.u32;
	[bflag:$0x2] =	sbarrier.arrive $0xFFFF  }
0xaa: {  	p0 =	sne.s32 s0, $0x0;
	s0 =	rddreg [dreg:$0x5]  }
0xab: {  	s0 =	sadd.s32 @!p0 $0x100000, s0  }
0xac: {  	[sflag:s0] =	ssyncadd.tile.s32 @!p0 $0x1;
	_ =	shalt  }
.Lfunc_end2:
_tile_overlayer_lowered:
.L_overlay_start_2:
0xad: {  	(tag) =	ssettag $0x2  }
0xae: {  	s0 =	rddreg [dreg:$0x0];
	s2 =	stileid.u32  }
0xaf: {  	s1 =	rddreg [dreg:$0x1];
	p0 =	sne.s32 s2, $0x0  }
0xb0: {  	s3 =	rddreg [dreg:$0x2];
	[bflag:$0x3] =	sbarrier.arrive $0xFFFF;
	s2 =	simm.s32 @!p0 $0x1C09  }
0xb1: {  	[timem:s3], [sflag:s2] =	dma.local @!p0 [hbm:s0], s1  }
0xb2: {  	s0 =	simm.s32 @!p0 $0x9  }
0xb3: {  	_ =	swait.ge @!p0 [sflag:s0], s1  }
0xb4: {  	s1 =	ssub.s32 @!p0 $0x0, s1;
	[sflag:s0] =	ssyncset.done @!p0 $0x0  }
0xb5: {  	[sflag:s0] =	ssyncadd.s32 @!p0 s1  }
0xb6: {  	[bflag:$0x3] =	sbarrier.arrive $0xFFFF  }
0xb7: {  	_ =	shalt  }

</sc_bundles>
